<compile_context>
chip_gen: v7x
topology: tpu7x:2x2x1
jax: 0.10.2.dev20260603
libtpu: 0.0.44.dev20260713+nightly
codegen_flags: <defaults>
</compile_context>

<pallas_src>
import functools

import jax
import jax.numpy as jnp
from jax import lax
from jax.experimental import pallas as pl
from jax.experimental.pallas import tpu as pltpu
from jax.experimental.pallas import tpu_sc as plsc

N = 10000
NP = 10240
E = 320000
D = 128
DH = D // 2
NC = 2
NS = 16
NW = NC * NS
RT = NP // NS

KA = 125
CA = E // NS // KA

KC = 50
CC = E // NW // KC

_MESH = plsc.VectorSubcoreMesh(core_axis_name="c", subcore_axis_name="s")



CW = 16


def _make_aggregate(with_count):
    out_type = [jax.ShapeDtypeStruct((NC, NP, DH), jnp.float32)]
    scratch = [
        pltpu.VMEM((CA, KA), jnp.int32),
        pltpu.VMEM((CA, KA), jnp.int32),
        pltpu.VMEM((KA, DH), jnp.float32),
        pltpu.VMEM((KA, DH), jnp.float32),
        pltpu.VMEM_SHARED((NP, DH), jnp.float32),
        pltpu.SemaphoreType.DMA,
        pltpu.SemaphoreType.DMA,
    ]
    if with_count:
        out_type.append(jax.ShapeDtypeStruct((NC, NP, CW), jnp.float32))
        scratch += [
            pltpu.VMEM((KA, CW), jnp.float32),
            pltpu.VMEM_SHARED((NP, CW), jnp.float32),
        ]

    def agg(h_hbm, src_hbm, dst_hbm, zeros_hbm, *rest):
        if with_count:
            (zc_hbm, ones_hbm, out_hbm, cnt_hbm,
             idx_s, idx_d, msg0, msg1, acc, sem0, sem1, ones_v, cacc) = rest
        else:
            idx_s, idx_d, msg0, msg1, acc, sem0, sem1 = rest[1:]
            out_hbm = rest[0]
        c = lax.axis_index("c")
        s = lax.axis_index("s")
        pltpu.sync_copy(zeros_hbm, acc.at[pl.ds(s * RT, RT)])
        pltpu.sync_copy(src_hbm.at[c, s], idx_s)
        pltpu.sync_copy(dst_hbm.at[s], idx_d)
        if with_count:
            pltpu.sync_copy(zc_hbm, cacc.at[pl.ds(s * RT, RT)])
            pltpu.sync_copy(ones_hbm, ones_v)
        plsc.subcore_barrier()

        pltpu.async_copy(h_hbm.at[idx_s.at[0]], msg0, sem0)
        pltpu.async_copy(h_hbm.at[idx_s.at[1]], msg1, sem1)

        def body(i, carry):
            j0 = 2 * i
            pltpu.make_async_copy(h_hbm.at[idx_s.at[j0]], msg0, sem0).wait()
            pltpu.sync_copy(msg0, acc.at[idx_d.at[j0]], add=True)
            if with_count:
                @pl.when(c == 0)
                def _():
                    pltpu.sync_copy(ones_v, cacc.at[idx_d.at[j0]], add=True)

            @pl.when(j0 + 2 < CA)
            def _():
                pltpu.async_copy(h_hbm.at[idx_s.at[j0 + 2]], msg0, sem0)

            pltpu.make_async_copy(h_hbm.at[idx_s.at[j0 + 1]], msg1, sem1).wait()
            pltpu.sync_copy(msg1, acc.at[idx_d.at[j0 + 1]], add=True)
            if with_count:
                @pl.when(c == 1)
                def _():
                    pltpu.sync_copy(ones_v, cacc.at[idx_d.at[j0 + 1]], add=True)

            @pl.when(j0 + 3 < CA)
            def _():
                pltpu.async_copy(h_hbm.at[idx_s.at[j0 + 3]], msg1, sem1)

            return carry

        lax.fori_loop(0, CA // 2, body, 0)
        plsc.subcore_barrier()
        pltpu.sync_copy(acc.at[pl.ds(s * RT, RT)], out_hbm.at[c, pl.ds(s * RT, RT)])
        if with_count:
            pltpu.sync_copy(cacc.at[pl.ds(s * RT, RT)],
                            cnt_hbm.at[c, pl.ds(s * RT, RT)])

    return functools.partial(
        pl.kernel,
        out_type=tuple(out_type) if with_count else out_type[0],
        mesh=_MESH,
        scratch_types=scratch,
        compiler_params=pltpu.CompilerParams(use_tc_tiling_on_sc=False),
    )(agg)


_sc_aggregate = _make_aggregate(False)


@functools.partial(
    pl.kernel,
    out_type=jax.ShapeDtypeStruct((NC, NP, CW), jnp.float32),
    mesh=_MESH,
    scratch_types=[
        pltpu.VMEM((CC, KC), jnp.int32),
        pltpu.VMEM((KC, CW), jnp.float32),
        pltpu.VMEM_SHARED((NP, CW), jnp.float32),
    ],
    compiler_params=pltpu.CompilerParams(use_tc_tiling_on_sc=False),
)
def _sc_count(dst_hbm, zeros_hbm, ones_hbm, out_hbm, idx_d, ones_v, acc):
    c = lax.axis_index("c")
    s = lax.axis_index("s")
    wid = s * NC + c
    pltpu.sync_copy(zeros_hbm, acc.at[pl.ds(s * RT, RT)])
    pltpu.sync_copy(ones_hbm, ones_v)
    pltpu.sync_copy(dst_hbm.at[wid], idx_d)
    plsc.subcore_barrier()

    def body(j, carry):
        pltpu.sync_copy(ones_v, acc.at[idx_d.at[j]], add=True)
        return carry

    lax.fori_loop(0, CC, body, 0)
    plsc.subcore_barrier()
    pltpu.sync_copy(acc.at[pl.ds(s * RT, RT)], out_hbm.at[c, pl.ds(s * RT, RT)])



BR = 1024
GB = NP // BR


def _dense_body(aggp_ref, cntp_ref, h_ref, wl_ref, wr_ref, b_ref, o_ref, *, act):
    cnt = cntp_ref[0, :, 0:1] + cntp_ref[1, :, 0:1]
    inv = 1.0 / jnp.maximum(cnt, 1.0)
    out = (jnp.dot(aggp_ref[0] * inv, wl_ref[0], preferred_element_type=jnp.float32)
           + jnp.dot(aggp_ref[1] * inv, wl_ref[1], preferred_element_type=jnp.float32)
           + jnp.dot(h_ref[0], wr_ref[0], preferred_element_type=jnp.float32)
           + jnp.dot(h_ref[1], wr_ref[1], preferred_element_type=jnp.float32)
           + b_ref[...])
    if act == "relu":
        out = jnp.maximum(out, 0.0)
    else:
        z = out - jnp.max(out, axis=-1, keepdims=True)
        out = z - jnp.log(jnp.sum(jnp.exp(z), axis=-1, keepdims=True))
    if o_ref.shape[0] == 2:
        o_ref[0] = out[:, :DH]
        o_ref[1] = out[:, DH:]
    else:
        o_ref[...] = out


def _dense(aggp, cntp, h2, Wl2h, Wr2h, b2d, act, split_out=True):
    if split_out:
        out_spec = pl.BlockSpec((2, BR, DH), lambda i: (0, i, 0))
        out_shape = jax.ShapeDtypeStruct((2, NP, DH), jnp.float32)
    else:
        out_spec = pl.BlockSpec((BR, D), lambda i: (i, 0))
        out_shape = jax.ShapeDtypeStruct((NP, D), jnp.float32)
    return pl.pallas_call(
        functools.partial(_dense_body, act=act),
        grid=(GB,),
        in_specs=[
            pl.BlockSpec((2, BR, DH), lambda i: (0, i, 0)),
            pl.BlockSpec((2, BR, CW), lambda i: (0, i, 0)),
            pl.BlockSpec((2, BR, DH), lambda i: (0, i, 0)),
            pl.BlockSpec((2, DH, D), lambda i: (0, 0, 0)),
            pl.BlockSpec((2, DH, D), lambda i: (0, 0, 0)),
            pl.BlockSpec((1, D), lambda i: (0, 0)),
        ],
        out_specs=out_spec,
        out_shape=out_shape,
    )(aggp, cntp, h2, Wl2h, Wr2h, b2d)



def kernel(x, edge_index, Wl1, Wr1, b1, Wl2, Wr2, b2, Wl3, Wr3, b3):
    src = edge_index[0]
    dst = edge_index[1]
    srcT = src.reshape(NS, CA, KA)
    src3 = jnp.stack([srcT, srcT + NP])
    dst3 = dst.reshape(NS, CA, KA)
    xp = jnp.zeros((NP, D), jnp.float32).at[:N].set(x)
    x2 = jnp.stack([xp[:, :DH], xp[:, DH:]])
    dstC = dst.reshape(NW, CC, KC)
    zh = jnp.zeros((RT, DH), jnp.float32)
    zc = jnp.zeros((RT, CW), jnp.float32)
    ones = jnp.ones((KC, CW), jnp.float32)

    cntp = _sc_count(dstC, zc, ones)
    h2 = x2
    for Wl, Wr, b in ((Wl1, Wr1, b1), (Wl2, Wr2, b2)):
        aggp = _sc_aggregate(h2.reshape(NC * NP, DH), src3, dst3, zh)
        h2 = _dense(aggp, cntp, h2, Wl.reshape(2, DH, D), Wr.reshape(2, DH, D),
                    b.reshape(1, D), "relu")
    aggp = _sc_aggregate(h2.reshape(NC * NP, DH), src3, dst3, zh)
    out = _dense(aggp, cntp, h2, Wl3.reshape(2, DH, D), Wr3.reshape(2, DH, D),
                 b3.reshape(1, D), "logsoftmax", split_out=False)
    return out[:N]

# --- scband reference (transcript-rebuilt; emitter-appended) ---
"""Pipeline reference for scband-graph-sage-13606456394538 (READ-ONLY COPY).

The authoritative reference and input builder live on the scoring server;
editing this copy changes nothing except your own understanding.
"""

import jax, jax.numpy as jnp
import numpy as np

N = 10000
E = 320000
D_IN = 128
D_H = 128
D_OUT = 128


def setup_inputs(seed: int = 0) -> dict:
    key = jax.random.key(seed)
    ks = jax.random.split(key, 12)
    x = jax.random.normal(ks[0], (N, D_IN), dtype=jnp.float32)
    edge_index = jax.random.randint(ks[1], (2, E), 0, N, dtype=jnp.int32)
    def lin(k, din, dout):
        return jax.random.normal(k, (din, dout), dtype=jnp.float32) * (1.0 / np.sqrt(din))
    Wl1 = lin(ks[2], D_IN, D_H)
    Wr1 = lin(ks[3], D_IN, D_H)
    b1 = jnp.zeros((D_H,), jnp.float32)
    Wl2 = lin(ks[4], D_H, D_H)
    Wr2 = lin(ks[5], D_H, D_H)
    b2 = jnp.zeros((D_H,), jnp.float32)
    Wl3 = lin(ks[6], D_H, D_OUT)
    Wr3 = lin(ks[7], D_H, D_OUT)
    b3 = jnp.zeros((D_OUT,), jnp.float32)
    return {"x": x, "edge_index": edge_index, "Wl1": Wl1, "Wr1": Wr1, "b1": b1,
            "Wl2": Wl2, "Wr2": Wr2, "b2": b2, "Wl3": Wl3, "Wr3": Wr3, "b3": b3}


def _sage_conv(x, src, dst, Wl, Wr, b):
    # PyG SAGEConv with mean aggregation: out = lin_l(mean_j x_j) + lin_r(x)
    msg = jnp.take(x, src, axis=0)                                   # gather [E, d]
    s = jax.ops.segment_sum(msg, dst, num_segments=N)                # scatter-add [N, d]
    cnt = jax.ops.segment_sum(jnp.ones((src.shape[0],), jnp.float32), dst, num_segments=N)
    agg = s / jnp.clip(cnt, 1.0, None)[:, None]
    return agg @ Wl + b + x @ Wr


def reference(x, edge_index, Wl1, Wr1, b1, Wl2, Wr2, b2, Wl3, Wr3, b3):
    src = edge_index[0]
    dst = edge_index[1]
    h = _sage_conv(x, src, dst, Wl1, Wr1, b1)
    h = jax.nn.relu(h)
    # dropout is identity in eval mode
    h = _sage_conv(h, src, dst, Wl2, Wr2, b2)
    h = jax.nn.relu(h)
    h = _sage_conv(h, src, dst, Wl3, Wr3, b3)
    return jax.nn.log_softmax(h, axis=-1)

if __name__ == "__main__":
    import jax
    _d = setup_inputs()
    print(jax.jit(kernel)(*tuple(_d.values())))

</pallas_src>

<mosaic_0001>
#map = affine_map<(d0, d1) -> (0, 0)>
#map1 = affine_map<(d0, d1) -> (0, 0, 0, 0)>
#map2 = affine_map<(d0, d1) -> (0, 0, 0)>
module attributes {stable_mosaic.version = 14 : i64} {
  func.func @agg(%arg0: i32, %arg1: i32, %arg2: memref<20480x64xf32, #tpu.memory_space<hbm>>, %arg3: memref<2x16x160x125xi32, #tpu.memory_space<hbm>>, %arg4: memref<16x160x125xi32, #tpu.memory_space<hbm>>, %arg5: memref<640x64xf32, #tpu.memory_space<hbm>>, %arg6: memref<2x10240x64xf32, #tpu.memory_space<hbm>>, %arg7: memref<160x125xi32, #tpu.memory_space<vmem>>, %arg8: memref<160x125xi32, #tpu.memory_space<vmem>>, %arg9: memref<125x64xf32, #tpu.memory_space<vmem>>, %arg10: memref<125x64xf32, #tpu.memory_space<vmem>>, %arg11: memref<10240x64xf32, #tpu.memory_space<vmem_shared>>, %arg12: memref<!tpu.dma_semaphore, #tpu.memory_space<semaphore_mem>>, %arg13: memref<!tpu.dma_semaphore, #tpu.memory_space<semaphore_mem>>) attributes {dimension_semantics = [#tpu.dimension_semantics<core_parallel>, #tpu.dimension_semantics<subcore_parallel>], iteration_bounds = array<i64: 2, 16>, scalar_prefetch = 0 : i64, scratch_operands = 7 : i64, tpu.core_type = #tpu.core_type<sc_vector_subcore>, window_params = [{transform_indices = #map}, {transform_indices = #map1}, {transform_indices = #map2}, {transform_indices = #map}, {transform_indices = #map2}]} {
    %mul3A = arith.constant 640 : i32
    %mul3A_0 = arith.muli %arg1, %mul3A : i32
    "tpu.region"() ({
      %run_scoped3A = tpu.sem_alloc : memref<!tpu.dma_semaphore, #tpu.memory_space<semaphore_mem>>
      %dma_start3A_24 = arith.constant 0 : i32
      %dma_start3A_25 = tpu.memref_slice %arg11[%mul3A_0, %dma_start3A_24] : memref<10240x64xf32, #tpu.memory_space<vmem_shared>> -> memref<640x64xf32, #tpu.memory_space<vmem_shared>>
      tpu.enqueue_dma source(%arg5 : memref<640x64xf32, #tpu.memory_space<hbm>>) target(%dma_start3A_25 : memref<640x64xf32, #tpu.memory_space<vmem_shared>>) target_semaphore(%run_scoped3A : memref<!tpu.dma_semaphore, #tpu.memory_space<semaphore_mem>>)
      %dma_wait3A = arith.constant 0 : i32
      %dma_wait3A_26 = tpu.memref_slice %arg11[%mul3A_0, %dma_wait3A] : memref<10240x64xf32, #tpu.memory_space<vmem_shared>> -> memref<640x64xf32, #tpu.memory_space<vmem_shared>>
      tpu.wait_dma2 semaphore(%run_scoped3A : memref<!tpu.dma_semaphore, #tpu.memory_space<semaphore_mem>>) src(%arg5 : memref<640x64xf32, #tpu.memory_space<hbm>>) dst(%dma_wait3A_26 : memref<640x64xf32, #tpu.memory_space<vmem_shared>>)
      tpu.yield
    }) : () -> ()
    "tpu.region"() ({
      %run_scoped3A = tpu.sem_alloc : memref<!tpu.dma_semaphore, #tpu.memory_space<semaphore_mem>>
      %dma_start3A_24 = arith.constant 0 : i32
      %dma_start3A_25 = arith.constant 0 : i32
      %dma_start3A_26 = tpu.memref_slice %arg3[%arg0, %arg1, %dma_start3A_24, %dma_start3A_25] : memref<2x16x160x125xi32, #tpu.memory_space<hbm>> -> memref<1x1x160x125xi32, #tpu.memory_space<hbm>>
      %dma_start3A_27 = tpu.memref_squeeze %dma_start3A_26 : memref<1x1x160x125xi32, #tpu.memory_space<hbm>> -> memref<160x125xi32, #tpu.memory_space<hbm>>
      %dma_start3A_28 = arith.constant 0 : i32
      %dma_start3A_29 = arith.constant 0 : i32
      %dma_start3A_30 = tpu.memref_slice %arg3[%arg0, %arg1, %dma_start3A_28, %dma_start3A_29] : memref<2x16x160x125xi32, #tpu.memory_space<hbm>> -> memref<1x1x160x125xi32, #tpu.memory_space<hbm>>
      %dma_start3A_31 = tpu.memref_squeeze %dma_start3A_30 : memref<1x1x160x125xi32, #tpu.memory_space<hbm>> -> memref<160x125xi32, #tpu.memory_space<hbm>>
      tpu.enqueue_dma source(%dma_start3A_31 : memref<160x125xi32, #tpu.memory_space<hbm>>) target(%arg7 : memref<160x125xi32, #tpu.memory_space<vmem>>) target_semaphore(%run_scoped3A : memref<!tpu.dma_semaphore, #tpu.memory_space<semaphore_mem>>)
      %dma_wait3A = arith.constant 0 : i32
      %dma_wait3A_32 = arith.constant 0 : i32
      %dma_wait3A_33 = tpu.memref_slice %arg3[%arg0, %arg1, %dma_wait3A, %dma_wait3A_32] : memref<2x16x160x125xi32, #tpu.memory_space<hbm>> -> memref<1x1x160x125xi32, #tpu.memory_space<hbm>>
      %dma_wait3A_34 = tpu.memref_squeeze %dma_wait3A_33 : memref<1x1x160x125xi32, #tpu.memory_space<hbm>> -> memref<160x125xi32, #tpu.memory_space<hbm>>
      %dma_wait3A_35 = arith.constant 0 : i32
      %dma_wait3A_36 = arith.constant 0 : i32
      %dma_wait3A_37 = tpu.memref_slice %arg3[%arg0, %arg1, %dma_wait3A_35, %dma_wait3A_36] : memref<2x16x160x125xi32, #tpu.memory_space<hbm>> -> memref<1x1x160x125xi32, #tpu.memory_space<hbm>>
      %dma_wait3A_38 = tpu.memref_squeeze %dma_wait3A_37 : memref<1x1x160x125xi32, #tpu.memory_space<hbm>> -> memref<160x125xi32, #tpu.memory_space<hbm>>
      tpu.wait_dma2 semaphore(%run_scoped3A : memref<!tpu.dma_semaphore, #tpu.memory_space<semaphore_mem>>) src(%dma_wait3A_38 : memref<160x125xi32, #tpu.memory_space<hbm>>) dst(%arg7 : memref<160x125xi32, #tpu.memory_space<vmem>>)
      tpu.yield
    }) : () -> ()
    "tpu.region"() ({
      %run_scoped3A = tpu.sem_alloc : memref<!tpu.dma_semaphore, #tpu.memory_space<semaphore_mem>>
      %dma_start3A_24 = arith.constant 0 : i32
      %dma_start3A_25 = arith.constant 0 : i32
      %dma_start3A_26 = tpu.memref_slice %arg4[%arg1, %dma_start3A_24, %dma_start3A_25] : memref<16x160x125xi32, #tpu.memory_space<hbm>> -> memref<1x160x125xi32, #tpu.memory_space<hbm>>
      %dma_start3A_27 = tpu.memref_squeeze %dma_start3A_26 : memref<1x160x125xi32, #tpu.memory_space<hbm>> -> memref<160x125xi32, #tpu.memory_space<hbm>>
      %dma_start3A_28 = arith.constant 0 : i32
      %dma_start3A_29 = arith.constant 0 : i32
      %dma_start3A_30 = tpu.memref_slice %arg4[%arg1, %dma_start3A_28, %dma_start3A_29] : memref<16x160x125xi32, #tpu.memory_space<hbm>> -> memref<1x160x125xi32, #tpu.memory_space<hbm>>
      %dma_start3A_31 = tpu.memref_squeeze %dma_start3A_30 : memref<1x160x125xi32, #tpu.memory_space<hbm>> -> memref<160x125xi32, #tpu.memory_space<hbm>>
      tpu.enqueue_dma source(%dma_start3A_31 : memref<160x125xi32, #tpu.memory_space<hbm>>) target(%arg8 : memref<160x125xi32, #tpu.memory_space<vmem>>) target_semaphore(%run_scoped3A : memref<!tpu.dma_semaphore, #tpu.memory_space<semaphore_mem>>)
      %dma_wait3A = arith.constant 0 : i32
      %dma_wait3A_32 = arith.constant 0 : i32
      %dma_wait3A_33 = tpu.memref_slice %arg4[%arg1, %dma_wait3A, %dma_wait3A_32] : memref<16x160x125xi32, #tpu.memory_space<hbm>> -> memref<1x160x125xi32, #tpu.memory_space<hbm>>
      %dma_wait3A_34 = tpu.memref_squeeze %dma_wait3A_33 : memref<1x160x125xi32, #tpu.memory_space<hbm>> -> memref<160x125xi32, #tpu.memory_space<hbm>>
      %dma_wait3A_35 = arith.constant 0 : i32
      %dma_wait3A_36 = arith.constant 0 : i32
      %dma_wait3A_37 = tpu.memref_slice %arg4[%arg1, %dma_wait3A_35, %dma_wait3A_36] : memref<16x160x125xi32, #tpu.memory_space<hbm>> -> memref<1x160x125xi32, #tpu.memory_space<hbm>>
      %dma_wait3A_38 = tpu.memref_squeeze %dma_wait3A_37 : memref<1x160x125xi32, #tpu.memory_space<hbm>> -> memref<160x125xi32, #tpu.memory_space<hbm>>
      tpu.wait_dma2 semaphore(%run_scoped3A : memref<!tpu.dma_semaphore, #tpu.memory_space<semaphore_mem>>) src(%dma_wait3A_38 : memref<160x125xi32, #tpu.memory_space<hbm>>) dst(%arg8 : memref<160x125xi32, #tpu.memory_space<vmem>>)
      tpu.yield
    }) : () -> ()
    %barrier3A = arith.constant 0 : index
    tpu.barrier barrier_id(%barrier3A)
    %dma_start3A = arith.constant 0 : i32
    %dma_start3A_1 = arith.constant 0 : i32
    %dma_start3A_2 = tpu.memref_slice %arg7[%dma_start3A, %dma_start3A_1] : memref<160x125xi32, #tpu.memory_space<vmem>> -> memref<1x125xi32, #tpu.memory_space<vmem>>
    %dma_start3A_3 = tpu.memref_squeeze %dma_start3A_2 : memref<1x125xi32, #tpu.memory_space<vmem>> -> memref<125xi32, #tpu.memory_space<vmem>>
    %dma_start3A_4 = arith.constant 0 : i32
    %dma_start3A_5 = arith.constant 0 : i32
    %dma_start3A_6 = tpu.memref_slice %arg2[%dma_start3A_4, %dma_start3A_5] : memref<20480x64xf32, #tpu.memory_space<hbm>> -> memref<20480x64xf32, #tpu.memory_space<hbm>>
    tpu.enqueue_indirect_dma source(%dma_start3A_6 : memref<20480x64xf32, #tpu.memory_space<hbm>>) target(%arg9 : memref<125x64xf32, #tpu.memory_space<vmem>>) offsets(%dma_start3A_3 : memref<125xi32, #tpu.memory_space<vmem>>) semaphore(%arg12 : memref<!tpu.dma_semaphore, #tpu.memory_space<semaphore_mem>>)
    %dma_start3A_7 = arith.constant 1 : i32
    %dma_start3A_8 = arith.constant 0 : i32
    %dma_start3A_9 = tpu.memref_slice %arg7[%dma_start3A_7, %dma_start3A_8] : memref<160x125xi32, #tpu.memory_space<vmem>> -> memref<1x125xi32, #tpu.memory_space<vmem>>
    %dma_start3A_10 = tpu.memref_squeeze %dma_start3A_9 : memref<1x125xi32, #tpu.memory_space<vmem>> -> memref<125xi32, #tpu.memory_space<vmem>>
    %dma_start3A_11 = arith.constant 0 : i32
    %dma_start3A_12 = arith.constant 0 : i32
    %dma_start3A_13 = tpu.memref_slice %arg2[%dma_start3A_11, %dma_start3A_12] : memref<20480x64xf32, #tpu.memory_space<hbm>> -> memref<20480x64xf32, #tpu.memory_space<hbm>>
    tpu.enqueue_indirect_dma source(%dma_start3A_13 : memref<20480x64xf32, #tpu.memory_space<hbm>>) target(%arg10 : memref<125x64xf32, #tpu.memory_space<vmem>>) offsets(%dma_start3A_10 : memref<125xi32, #tpu.memory_space<vmem>>) semaphore(%arg13 : memref<!tpu.dma_semaphore, #tpu.memory_space<semaphore_mem>>)
    %scan3A = arith.constant 0 : i32
    %scan3A_14 = arith.constant 0 : i32
    %scan3A_15 = arith.constant 80 : i32
    %scan3A_16 = arith.addi %scan3A_14, %scan3A_15 : i32
    %scan3A_17 = arith.constant 1 : i32
    scf.for %scan3A_24 = %scan3A_14 to %scan3A_16 step %scan3A_17  : i32 {
      %mul3A_25 = arith.constant 2 : i32
      %mul3A_26 = arith.muli %mul3A_25, %scan3A_24 : i32
      %dma_wait3A = arith.constant 0 : i32
      %dma_wait3A_27 = tpu.memref_slice %arg7[%mul3A_26, %dma_wait3A] : memref<160x125xi32, #tpu.memory_space<vmem>> -> memref<1x125xi32, #tpu.memory_space<vmem>>
      %dma_wait3A_28 = tpu.memref_squeeze %dma_wait3A_27 : memref<1x125xi32, #tpu.memory_space<vmem>> -> memref<125xi32, #tpu.memory_space<vmem>>
      %dma_wait3A_29 = arith.constant 0 : i32
      %dma_wait3A_30 = arith.constant 0 : i32
      %dma_wait3A_31 = tpu.memref_slice %arg2[%dma_wait3A_29, %dma_wait3A_30] : memref<20480x64xf32, #tpu.memory_space<hbm>> -> memref<20480x64xf32, #tpu.memory_space<hbm>>
      tpu.wait_indirect_dma semaphore(%arg12 : memref<!tpu.dma_semaphore, #tpu.memory_space<semaphore_mem>>) src(%dma_wait3A_31 : memref<20480x64xf32, #tpu.memory_space<hbm>>) dst(%arg9 : memref<125x64xf32, #tpu.memory_space<vmem>>)
      "tpu.region"() ({
        %run_scoped3A = tpu.sem_alloc : memref<!tpu.dma_semaphore, #tpu.memory_space<semaphore_mem>>
        %dma_start3A_52 = arith.constant 0 : i32
        %dma_start3A_53 = tpu.memref_slice %arg8[%mul3A_26, %dma_start3A_52] : memref<160x125xi32, #tpu.memory_space<vmem>> -> memref<1x125xi32, #tpu.memory_space<vmem>>
        %dma_start3A_54 = tpu.memref_squeeze %dma_start3A_53 : memref<1x125xi32, #tpu.memory_space<vmem>> -> memref<125xi32, #tpu.memory_space<vmem>>
        %dma_start3A_55 = arith.constant 0 : i32
        %dma_start3A_56 = arith.constant 0 : i32
        %dma_start3A_57 = tpu.memref_slice %arg11[%dma_start3A_55, %dma_start3A_56] : memref<10240x64xf32, #tpu.memory_space<vmem_shared>> -> memref<10240x64xf32, #tpu.memory_space<vmem_shared>>
        tpu.enqueue_indirect_dma source(%arg9 : memref<125x64xf32, #tpu.memory_space<vmem>>) target(%dma_start3A_57 : memref<10240x64xf32, #tpu.memory_space<vmem_shared>>) offsets(%dma_start3A_54 : memref<125xi32, #tpu.memory_space<vmem>>) semaphore(%run_scoped3A : memref<!tpu.dma_semaphore, #tpu.memory_space<semaphore_mem>>) {add = true}
        %dma_wait3A_58 = arith.constant 0 : i32
        %dma_wait3A_59 = tpu.memref_slice %arg8[%mul3A_26, %dma_wait3A_58] : memref<160x125xi32, #tpu.memory_space<vmem>> -> memref<1x125xi32, #tpu.memory_space<vmem>>
        %dma_wait3A_60 = tpu.memref_squeeze %dma_wait3A_59 : memref<1x125xi32, #tpu.memory_space<vmem>> -> memref<125xi32, #tpu.memory_space<vmem>>
        %dma_wait3A_61 = arith.constant 0 : i32
        %dma_wait3A_62 = arith.constant 0 : i32
        %dma_wait3A_63 = tpu.memref_slice %arg11[%dma_wait3A_61, %dma_wait3A_62] : memref<10240x64xf32, #tpu.memory_space<vmem_shared>> -> memref<10240x64xf32, #tpu.memory_space<vmem_shared>>
        tpu.wait_indirect_dma semaphore(%run_scoped3A : memref<!tpu.dma_semaphore, #tpu.memory_space<semaphore_mem>>) src(%arg9 : memref<125x64xf32, #tpu.memory_space<vmem>>) dst(%dma_wait3A_63 : memref<10240x64xf32, #tpu.memory_space<vmem_shared>>)
        tpu.yield
      }) : () -> ()
      %add3A = arith.constant 2 : i32
      %add3A_32 = arith.addi %mul3A_26, %add3A : i32
      %lt3A = arith.constant 160 : i32
      %lt3A_33 = arith.cmpi slt, %add3A_32, %lt3A : i32
      %convert_element_type3A = arith.extui %lt3A_33 : i1 to i32
      %cond3A = arith.constant 0 : i32
      %cond3A_34 = arith.cmpi ne, %convert_element_type3A, %cond3A : i32
      scf.if %cond3A_34 {
        %add3A_52 = arith.constant 2 : i32
        %add3A_53 = arith.addi %mul3A_26, %add3A_52 : i32
        %dma_start3A_54 = arith.constant 0 : i32
        %dma_start3A_55 = tpu.memref_slice %arg7[%add3A_53, %dma_start3A_54] : memref<160x125xi32, #tpu.memory_space<vmem>> -> memref<1x125xi32, #tpu.memory_space<vmem>>
        %dma_start3A_56 = tpu.memref_squeeze %dma_start3A_55 : memref<1x125xi32, #tpu.memory_space<vmem>> -> memref<125xi32, #tpu.memory_space<vmem>>
        %dma_start3A_57 = arith.constant 0 : i32
        %dma_start3A_58 = arith.constant 0 : i32
        %dma_start3A_59 = tpu.memref_slice %arg2[%dma_start3A_57, %dma_start3A_58] : memref<20480x64xf32, #tpu.memory_space<hbm>> -> memref<20480x64xf32, #tpu.memory_space<hbm>>
        tpu.enqueue_indirect_dma source(%dma_start3A_59 : memref<20480x64xf32, #tpu.memory_space<hbm>>) target(%arg9 : memref<125x64xf32, #tpu.memory_space<vmem>>) offsets(%dma_start3A_56 : memref<125xi32, #tpu.memory_space<vmem>>) semaphore(%arg12 : memref<!tpu.dma_semaphore, #tpu.memory_space<semaphore_mem>>)
      } else {
      }
      %add3A_35 = arith.constant 1 : i32
      %add3A_36 = arith.addi %mul3A_26, %add3A_35 : i32
      %dma_wait3A_37 = arith.constant 0 : i32
      %dma_wait3A_38 = tpu.memref_slice %arg7[%add3A_36, %dma_wait3A_37] : memref<160x125xi32, #tpu.memory_space<vmem>> -> memref<1x125xi32, #tpu.memory_space<vmem>>
      %dma_wait3A_39 = tpu.memref_squeeze %dma_wait3A_38 : memref<1x125xi32, #tpu.memory_space<vmem>> -> memref<125xi32, #tpu.memory_space<vmem>>
      %dma_wait3A_40 = arith.constant 0 : i32
      %dma_wait3A_41 = arith.constant 0 : i32
      %dma_wait3A_42 = tpu.memref_slice %arg2[%dma_wait3A_40, %dma_wait3A_41] : memref<20480x64xf32, #tpu.memory_space<hbm>> -> memref<20480x64xf32, #tpu.memory_space<hbm>>
      tpu.wait_indirect_dma semaphore(%arg13 : memref<!tpu.dma_semaphore, #tpu.memory_space<semaphore_mem>>) src(%dma_wait3A_42 : memref<20480x64xf32, #tpu.memory_space<hbm>>) dst(%arg10 : memref<125x64xf32, #tpu.memory_space<vmem>>)
      %add3A_43 = arith.constant 1 : i32
      %add3A_44 = arith.addi %mul3A_26, %add3A_43 : i32
      "tpu.region"() ({
        %run_scoped3A = tpu.sem_alloc : memref<!tpu.dma_semaphore, #tpu.memory_space<semaphore_mem>>
        %dma_start3A_52 = arith.constant 0 : i32
        %dma_start3A_53 = tpu.memref_slice %arg8[%add3A_44, %dma_start3A_52] : memref<160x125xi32, #tpu.memory_space<vmem>> -> memref<1x125xi32, #tpu.memory_space<vmem>>
        %dma_start3A_54 = tpu.memref_squeeze %dma_start3A_53 : memref<1x125xi32, #tpu.memory_space<vmem>> -> memref<125xi32, #tpu.memory_space<vmem>>
        %dma_start3A_55 = arith.constant 0 : i32
        %dma_start3A_56 = arith.constant 0 : i32
        %dma_start3A_57 = tpu.memref_slice %arg11[%dma_start3A_55, %dma_start3A_56] : memref<10240x64xf32, #tpu.memory_space<vmem_shared>> -> memref<10240x64xf32, #tpu.memory_space<vmem_shared>>
        tpu.enqueue_indirect_dma source(%arg10 : memref<125x64xf32, #tpu.memory_space<vmem>>) target(%dma_start3A_57 : memref<10240x64xf32, #tpu.memory_space<vmem_shared>>) offsets(%dma_start3A_54 : memref<125xi32, #tpu.memory_space<vmem>>) semaphore(%run_scoped3A : memref<!tpu.dma_semaphore, #tpu.memory_space<semaphore_mem>>) {add = true}
        %dma_wait3A_58 = arith.constant 0 : i32
        %dma_wait3A_59 = tpu.memref_slice %arg8[%add3A_44, %dma_wait3A_58] : memref<160x125xi32, #tpu.memory_space<vmem>> -> memref<1x125xi32, #tpu.memory_space<vmem>>
        %dma_wait3A_60 = tpu.memref_squeeze %dma_wait3A_59 : memref<1x125xi32, #tpu.memory_space<vmem>> -> memref<125xi32, #tpu.memory_space<vmem>>
        %dma_wait3A_61 = arith.constant 0 : i32
        %dma_wait3A_62 = arith.constant 0 : i32
        %dma_wait3A_63 = tpu.memref_slice %arg11[%dma_wait3A_61, %dma_wait3A_62] : memref<10240x64xf32, #tpu.memory_space<vmem_shared>> -> memref<10240x64xf32, #tpu.memory_space<vmem_shared>>
        tpu.wait_indirect_dma semaphore(%run_scoped3A : memref<!tpu.dma_semaphore, #tpu.memory_space<semaphore_mem>>) src(%arg10 : memref<125x64xf32, #tpu.memory_space<vmem>>) dst(%dma_wait3A_63 : memref<10240x64xf32, #tpu.memory_space<vmem_shared>>)
        tpu.yield
      }) : () -> ()
      %add3A_45 = arith.constant 3 : i32
      %add3A_46 = arith.addi %mul3A_26, %add3A_45 : i32
      %lt3A_47 = arith.constant 160 : i32
      %lt3A_48 = arith.cmpi slt, %add3A_46, %lt3A_47 : i32
      %convert_element_type3A_49 = arith.extui %lt3A_48 : i1 to i32
      %cond3A_50 = arith.constant 0 : i32
      %cond3A_51 = arith.cmpi ne, %convert_element_type3A_49, %cond3A_50 : i32
      scf.if %cond3A_51 {
        %add3A_52 = arith.constant 3 : i32
        %add3A_53 = arith.addi %mul3A_26, %add3A_52 : i32
        %dma_start3A_54 = arith.constant 0 : i32
        %dma_start3A_55 = tpu.memref_slice %arg7[%add3A_53, %dma_start3A_54] : memref<160x125xi32, #tpu.memory_space<vmem>> -> memref<1x125xi32, #tpu.memory_space<vmem>>
        %dma_start3A_56 = tpu.memref_squeeze %dma_start3A_55 : memref<1x125xi32, #tpu.memory_space<vmem>> -> memref<125xi32, #tpu.memory_space<vmem>>
        %dma_start3A_57 = arith.constant 0 : i32
        %dma_start3A_58 = arith.constant 0 : i32
        %dma_start3A_59 = tpu.memref_slice %arg2[%dma_start3A_57, %dma_start3A_58] : memref<20480x64xf32, #tpu.memory_space<hbm>> -> memref<20480x64xf32, #tpu.memory_space<hbm>>
        tpu.enqueue_indirect_dma source(%dma_start3A_59 : memref<20480x64xf32, #tpu.memory_space<hbm>>) target(%arg10 : memref<125x64xf32, #tpu.memory_space<vmem>>) offsets(%dma_start3A_56 : memref<125xi32, #tpu.memory_space<vmem>>) semaphore(%arg13 : memref<!tpu.dma_semaphore, #tpu.memory_space<semaphore_mem>>)
      } else {
      }
    }
    %scan3A_18 = arith.constant 80 : i32
    %barrier3A_19 = arith.constant 0 : index
    tpu.barrier barrier_id(%barrier3A_19)
    %mul3A_20 = arith.constant 640 : i32
    %mul3A_21 = arith.muli %arg1, %mul3A_20 : i32
    %mul3A_22 = arith.constant 640 : i32
    %mul3A_23 = arith.muli %arg1, %mul3A_22 : i32
    "tpu.region"() ({
      %run_scoped3A = tpu.sem_alloc : memref<!tpu.dma_semaphore, #tpu.memory_space<semaphore_mem>>
      %dma_start3A_24 = arith.constant 0 : i32
      %dma_start3A_25 = tpu.memref_slice %arg6[%arg0, %mul3A_23, %dma_start3A_24] : memref<2x10240x64xf32, #tpu.memory_space<hbm>> -> memref<1x640x64xf32, #tpu.memory_space<hbm>>
      %dma_start3A_26 = tpu.memref_squeeze %dma_start3A_25 : memref<1x640x64xf32, #tpu.memory_space<hbm>> -> memref<640x64xf32, #tpu.memory_space<hbm>>
      %dma_start3A_27 = arith.constant 0 : i32
      %dma_start3A_28 = tpu.memref_slice %arg11[%mul3A_21, %dma_start3A_27] : memref<10240x64xf32, #tpu.memory_space<vmem_shared>> -> memref<640x64xf32, #tpu.memory_space<vmem_shared>>
      tpu.enqueue_dma source(%dma_start3A_28 : memref<640x64xf32, #tpu.memory_space<vmem_shared>>) target(%dma_start3A_26 : memref<640x64xf32, #tpu.memory_space<hbm>>) target_semaphore(%run_scoped3A : memref<!tpu.dma_semaphore, #tpu.memory_space<semaphore_mem>>)
      %dma_wait3A = arith.constant 0 : i32
      %dma_wait3A_29 = tpu.memref_slice %arg6[%arg0, %mul3A_23, %dma_wait3A] : memref<2x10240x64xf32, #tpu.memory_space<hbm>> -> memref<1x640x64xf32, #tpu.memory_space<hbm>>
      %dma_wait3A_30 = tpu.memref_squeeze %dma_wait3A_29 : memref<1x640x64xf32, #tpu.memory_space<hbm>> -> memref<640x64xf32, #tpu.memory_space<hbm>>
      %dma_wait3A_31 = arith.constant 0 : i32
      %dma_wait3A_32 = tpu.memref_slice %arg11[%mul3A_21, %dma_wait3A_31] : memref<10240x64xf32, #tpu.memory_space<vmem_shared>> -> memref<640x64xf32, #tpu.memory_space<vmem_shared>>
      tpu.wait_dma2 semaphore(%run_scoped3A : memref<!tpu.dma_semaphore, #tpu.memory_space<semaphore_mem>>) src(%dma_wait3A_32 : memref<640x64xf32, #tpu.memory_space<vmem_shared>>) dst(%dma_wait3A_30 : memref<640x64xf32, #tpu.memory_space<hbm>>)
      tpu.yield
    }) : () -> ()
    return
  }
}

#map = affine_map<(d0, d1) -> (0, 0)>
#map1 = affine_map<(d0, d1) -> (0, 0, 0, 0)>
#map2 = affine_map<(d0, d1) -> (0, 0, 0)>
module attributes {stable_mosaic.version = 14 : i64} {
  func.func @agg(%arg0: i32, %arg1: i32, %arg2: memref<20480x64xf32, #tpu.memory_space<hbm>>, %arg3: memref<2x16x160x125xi32, #tpu.memory_space<hbm>>, %arg4: memref<16x160x125xi32, #tpu.memory_space<hbm>>, %arg5: memref<640x64xf32, #tpu.memory_space<hbm>>, %arg6: memref<2x10240x64xf32, #tpu.memory_space<hbm>>, %arg7: memref<160x125xi32, #tpu.memory_space<vmem>>, %arg8: memref<160x125xi32, #tpu.memory_space<vmem>>, %arg9: memref<125x64xf32, #tpu.memory_space<vmem>>, %arg10: memref<125x64xf32, #tpu.memory_space<vmem>>, %arg11: memref<10240x64xf32, #tpu.memory_space<vmem_shared>>, %arg12: memref<!tpu.dma_semaphore, #tpu.memory_space<semaphore_mem>>, %arg13: memref<!tpu.dma_semaphore, #tpu.memory_space<semaphore_mem>>) attributes {dimension_semantics = [#tpu.dimension_semantics<core_parallel>, #tpu.dimension_semantics<subcore_parallel>], iteration_bounds = array<i64: 2, 16>, scalar_prefetch = 0 : i64, scratch_operands = 7 : i64, tpu.core_type = #tpu.core_type<sc_vector_subcore>, window_params = [{transform_indices = #map}, {transform_indices = #map1}, {transform_indices = #map2}, {transform_indices = #map}, {transform_indices = #map2}]} {
    %mul3A = arith.constant 640 : i32
    %mul3A_0 = arith.muli %arg1, %mul3A : i32
    "tpu.region"() ({
      %run_scoped3A = tpu.sem_alloc : memref<!tpu.dma_semaphore, #tpu.memory_space<semaphore_mem>>
      %dma_start3A_24 = arith.constant 0 : i32
      %dma_start3A_25 = tpu.memref_slice %arg11[%mul3A_0, %dma_start3A_24] : memref<10240x64xf32, #tpu.memory_space<vmem_shared>> -> memref<640x64xf32, #tpu.memory_space<vmem_shared>>
      tpu.enqueue_dma source(%arg5 : memref<640x64xf32, #tpu.memory_space<hbm>>) target(%dma_start3A_25 : memref<640x64xf32, #tpu.memory_space<vmem_shared>>) target_semaphore(%run_scoped3A : memref<!tpu.dma_semaphore, #tpu.memory_space<semaphore_mem>>)
      %dma_wait3A = arith.constant 0 : i32
      %dma_wait3A_26 = tpu.memref_slice %arg11[%mul3A_0, %dma_wait3A] : memref<10240x64xf32, #tpu.memory_space<vmem_shared>> -> memref<640x64xf32, #tpu.memory_space<vmem_shared>>
      tpu.wait_dma2 semaphore(%run_scoped3A : memref<!tpu.dma_semaphore, #tpu.memory_space<semaphore_mem>>) src(%arg5 : memref<640x64xf32, #tpu.memory_space<hbm>>) dst(%dma_wait3A_26 : memref<640x64xf32, #tpu.memory_space<vmem_shared>>)
      tpu.yield
    }) : () -> ()
    "tpu.region"() ({
      %run_scoped3A = tpu.sem_alloc : memref<!tpu.dma_semaphore, #tpu.memory_space<semaphore_mem>>
      %dma_start3A_24 = arith.constant 0 : i32
      %dma_start3A_25 = arith.constant 0 : i32
      %dma_start3A_26 = tpu.memref_slice %arg3[%arg0, %arg1, %dma_start3A_24, %dma_start3A_25] : memref<2x16x160x125xi32, #tpu.memory_space<hbm>> -> memref<1x1x160x125xi32, #tpu.memory_space<hbm>>
      %dma_start3A_27 = tpu.memref_squeeze %dma_start3A_26 : memref<1x1x160x125xi32, #tpu.memory_space<hbm>> -> memref<160x125xi32, #tpu.memory_space<hbm>>
      %dma_start3A_28 = arith.constant 0 : i32
      %dma_start3A_29 = arith.constant 0 : i32
      %dma_start3A_30 = tpu.memref_slice %arg3[%arg0, %arg1, %dma_start3A_28, %dma_start3A_29] : memref<2x16x160x125xi32, #tpu.memory_space<hbm>> -> memref<1x1x160x125xi32, #tpu.memory_space<hbm>>
      %dma_start3A_31 = tpu.memref_squeeze %dma_start3A_30 : memref<1x1x160x125xi32, #tpu.memory_space<hbm>> -> memref<160x125xi32, #tpu.memory_space<hbm>>
      tpu.enqueue_dma source(%dma_start3A_31 : memref<160x125xi32, #tpu.memory_space<hbm>>) target(%arg7 : memref<160x125xi32, #tpu.memory_space<vmem>>) target_semaphore(%run_scoped3A : memref<!tpu.dma_semaphore, #tpu.memory_space<semaphore_mem>>)
      %dma_wait3A = arith.constant 0 : i32
      %dma_wait3A_32 = arith.constant 0 : i32
      %dma_wait3A_33 = tpu.memref_slice %arg3[%arg0, %arg1, %dma_wait3A, %dma_wait3A_32] : memref<2x16x160x125xi32, #tpu.memory_space<hbm>> -> memref<1x1x160x125xi32, #tpu.memory_space<hbm>>
      %dma_wait3A_34 = tpu.memref_squeeze %dma_wait3A_33 : memref<1x1x160x125xi32, #tpu.memory_space<hbm>> -> memref<160x125xi32, #tpu.memory_space<hbm>>
      %dma_wait3A_35 = arith.constant 0 : i32
      %dma_wait3A_36 = arith.constant 0 : i32
      %dma_wait3A_37 = tpu.memref_slice %arg3[%arg0, %arg1, %dma_wait3A_35, %dma_wait3A_36] : memref<2x16x160x125xi32, #tpu.memory_space<hbm>> -> memref<1x1x160x125xi32, #tpu.memory_space<hbm>>
      %dma_wait3A_38 = tpu.memref_squeeze %dma_wait3A_37 : memref<1x1x160x125xi32, #tpu.memory_space<hbm>> -> memref<160x125xi32, #tpu.memory_space<hbm>>
      tpu.wait_dma2 semaphore(%run_scoped3A : memref<!tpu.dma_semaphore, #tpu.memory_space<semaphore_mem>>) src(%dma_wait3A_38 : memref<160x125xi32, #tpu.memory_space<hbm>>) dst(%arg7 : memref<160x125xi32, #tpu.memory_space<vmem>>)
      tpu.yield
    }) : () -> ()
    "tpu.region"() ({
      %run_scoped3A = tpu.sem_alloc : memref<!tpu.dma_semaphore, #tpu.memory_space<semaphore_mem>>
      %dma_start3A_24 = arith.constant 0 : i32
      %dma_start3A_25 = arith.constant 0 : i32
      %dma_start3A_26 = tpu.memref_slice %arg4[%arg1, %dma_start3A_24, %dma_start3A_25] : memref<16x160x125xi32, #tpu.memory_space<hbm>> -> memref<1x160x125xi32, #tpu.memory_space<hbm>>
      %dma_start3A_27 = tpu.memref_squeeze %dma_start3A_26 : memref<1x160x125xi32, #tpu.memory_space<hbm>> -> memref<160x125xi32, #tpu.memory_space<hbm>>
      %dma_start3A_28 = arith.constant 0 : i32
      %dma_start3A_29 = arith.constant 0 : i32
      %dma_start3A_30 = tpu.memref_slice %arg4[%arg1, %dma_start3A_28, %dma_start3A_29] : memref<16x160x125xi32, #tpu.memory_space<hbm>> -> memref<1x160x125xi32, #tpu.memory_space<hbm>>
      %dma_start3A_31 = tpu.memref_squeeze %dma_start3A_30 : memref<1x160x125xi32, #tpu.memory_space<hbm>> -> memref<160x125xi32, #tpu.memory_space<hbm>>
      tpu.enqueue_dma source(%dma_start3A_31 : memref<160x125xi32, #tpu.memory_space<hbm>>) target(%arg8 : memref<160x125xi32, #tpu.memory_space<vmem>>) target_semaphore(%run_scoped3A : memref<!tpu.dma_semaphore, #tpu.memory_space<semaphore_mem>>)
      %dma_wait3A = arith.constant 0 : i32
      %dma_wait3A_32 = arith.constant 0 : i32
      %dma_wait3A_33 = tpu.memref_slice %arg4[%arg1, %dma_wait3A, %dma_wait3A_32] : memref<16x160x125xi32, #tpu.memory_space<hbm>> -> memref<1x160x125xi32, #tpu.memory_space<hbm>>
      %dma_wait3A_34 = tpu.memref_squeeze %dma_wait3A_33 : memref<1x160x125xi32, #tpu.memory_space<hbm>> -> memref<160x125xi32, #tpu.memory_space<hbm>>
      %dma_wait3A_35 = arith.constant 0 : i32
      %dma_wait3A_36 = arith.constant 0 : i32
      %dma_wait3A_37 = tpu.memref_slice %arg4[%arg1, %dma_wait3A_35, %dma_wait3A_36] : memref<16x160x125xi32, #tpu.memory_space<hbm>> -> memref<1x160x125xi32, #tpu.memory_space<hbm>>
      %dma_wait3A_38 = tpu.memref_squeeze %dma_wait3A_37 : memref<1x160x125xi32, #tpu.memory_space<hbm>> -> memref<160x125xi32, #tpu.memory_space<hbm>>
      tpu.wait_dma2 semaphore(%run_scoped3A : memref<!tpu.dma_semaphore, #tpu.memory_space<semaphore_mem>>) src(%dma_wait3A_38 : memref<160x125xi32, #tpu.memory_space<hbm>>) dst(%arg8 : memref<160x125xi32, #tpu.memory_space<vmem>>)
      tpu.yield
    }) : () -> ()
    %barrier3A = arith.constant 0 : index
    tpu.barrier barrier_id(%barrier3A)
    %dma_start3A = arith.constant 0 : i32
    %dma_start3A_1 = arith.constant 0 : i32
    %dma_start3A_2 = tpu.memref_slice %arg7[%dma_start3A, %dma_start3A_1] : memref<160x125xi32, #tpu.memory_space<vmem>> -> memref<1x125xi32, #tpu.memory_space<vmem>>
    %dma_start3A_3 = tpu.memref_squeeze %dma_start3A_2 : memref<1x125xi32, #tpu.memory_space<vmem>> -> memref<125xi32, #tpu.memory_space<vmem>>
    %dma_start3A_4 = arith.constant 0 : i32
    %dma_start3A_5 = arith.constant 0 : i32
    %dma_start3A_6 = tpu.memref_slice %arg2[%dma_start3A_4, %dma_start3A_5] : memref<20480x64xf32, #tpu.memory_space<hbm>> -> memref<20480x64xf32, #tpu.memory_space<hbm>>
    tpu.enqueue_indirect_dma source(%dma_start3A_6 : memref<20480x64xf32, #tpu.memory_space<hbm>>) target(%arg9 : memref<125x64xf32, #tpu.memory_space<vmem>>) offsets(%dma_start3A_3 : memref<125xi32, #tpu.memory_space<vmem>>) semaphore(%arg12 : memref<!tpu.dma_semaphore, #tpu.memory_space<semaphore_mem>>)
    %dma_start3A_7 = arith.constant 1 : i32
    %dma_start3A_8 = arith.constant 0 : i32
    %dma_start3A_9 = tpu.memref_slice %arg7[%dma_start3A_7, %dma_start3A_8] : memref<160x125xi32, #tpu.memory_space<vmem>> -> memref<1x125xi32, #tpu.memory_space<vmem>>
    %dma_start3A_10 = tpu.memref_squeeze %dma_start3A_9 : memref<1x125xi32, #tpu.memory_space<vmem>> -> memref<125xi32, #tpu.memory_space<vmem>>
    %dma_start3A_11 = arith.constant 0 : i32
    %dma_start3A_12 = arith.constant 0 : i32
    %dma_start3A_13 = tpu.memref_slice %arg2[%dma_start3A_11, %dma_start3A_12] : memref<20480x64xf32, #tpu.memory_space<hbm>> -> memref<20480x64xf32, #tpu.memory_space<hbm>>
    tpu.enqueue_indirect_dma source(%dma_start3A_13 : memref<20480x64xf32, #tpu.memory_space<hbm>>) target(%arg10 : memref<125x64xf32, #tpu.memory_space<vmem>>) offsets(%dma_start3A_10 : memref<125xi32, #tpu.memory_space<vmem>>) semaphore(%arg13 : memref<!tpu.dma_semaphore, #tpu.memory_space<semaphore_mem>>)
    %scan3A = arith.constant 0 : i32
    %scan3A_14 = arith.constant 0 : i32
    %scan3A_15 = arith.constant 80 : i32
    %scan3A_16 = arith.addi %scan3A_14, %scan3A_15 : i32
    %scan3A_17 = arith.constant 1 : i32
    scf.for %scan3A_24 = %scan3A_14 to %scan3A_16 step %scan3A_17  : i32 {
      %mul3A_25 = arith.constant 2 : i32
      %mul3A_26 = arith.muli %mul3A_25, %scan3A_24 : i32
      %dma_wait3A = arith.constant 0 : i32
      %dma_wait3A_27 = tpu.memref_slice %arg7[%mul3A_26, %dma_wait3A] : memref<160x125xi32, #tpu.memory_space<vmem>> -> memref<1x125xi32, #tpu.memory_space<vmem>>
      %dma_wait3A_28 = tpu.memref_squeeze %dma_wait3A_27 : memref<1x125xi32, #tpu.memory_space<vmem>> -> memref<125xi32, #tpu.memory_space<vmem>>
      %dma_wait3A_29 = arith.constant 0 : i32
      %dma_wait3A_30 = arith.constant 0 : i32
      %dma_wait3A_31 = tpu.memref_slice %arg2[%dma_wait3A_29, %dma_wait3A_30] : memref<20480x64xf32, #tpu.memory_space<hbm>> -> memref<20480x64xf32, #tpu.memory_space<hbm>>
      tpu.wait_indirect_dma semaphore(%arg12 : memref<!tpu.dma_semaphore, #tpu.memory_space<semaphore_mem>>) src(%dma_wait3A_31 : memref<20480x64xf32, #tpu.memory_space<hbm>>) dst(%arg9 : memref<125x64xf32, #tpu.memory_space<vmem>>)
      "tpu.region"() ({
        %run_scoped3A = tpu.sem_alloc : memref<!tpu.dma_semaphore, #tpu.memory_space<semaphore_mem>>
        %dma_start3A_52 = arith.constant 0 : i32
        %dma_start3A_53 = tpu.memref_slice %arg8[%mul3A_26, %dma_start3A_52] : memref<160x125xi32, #tpu.memory_space<vmem>> -> memref<1x125xi32, #tpu.memory_space<vmem>>
        %dma_start3A_54 = tpu.memref_squeeze %dma_start3A_53 : memref<1x125xi32, #tpu.memory_space<vmem>> -> memref<125xi32, #tpu.memory_space<vmem>>
        %dma_start3A_55 = arith.constant 0 : i32
        %dma_start3A_56 = arith.constant 0 : i32
        %dma_start3A_57 = tpu.memref_slice %arg11[%dma_start3A_55, %dma_start3A_56] : memref<10240x64xf32, #tpu.memory_space<vmem_shared>> -> memref<10240x64xf32, #tpu.memory_space<vmem_shared>>
        tpu.enqueue_indirect_dma source(%arg9 : memref<125x64xf32, #tpu.memory_space<vmem>>) target(%dma_start3A_57 : memref<10240x64xf32, #tpu.memory_space<vmem_shared>>) offsets(%dma_start3A_54 : memref<125xi32, #tpu.memory_space<vmem>>) semaphore(%run_scoped3A : memref<!tpu.dma_semaphore, #tpu.memory_space<semaphore_mem>>) {add = true}
        %dma_wait3A_58 = arith.constant 0 : i32
        %dma_wait3A_59 = tpu.memref_slice %arg8[%mul3A_26, %dma_wait3A_58] : memref<160x125xi32, #tpu.memory_space<vmem>> -> memref<1x125xi32, #tpu.memory_space<vmem>>
        %dma_wait3A_60 = tpu.memref_squeeze %dma_wait3A_59 : memref<1x125xi32, #tpu.memory_space<vmem>> -> memref<125xi32, #tpu.memory_space<vmem>>
        %dma_wait3A_61 = arith.constant 0 : i32
        %dma_wait3A_62 = arith.constant 0 : i32
        %dma_wait3A_63 = tpu.memref_slice %arg11[%dma_wait3A_61, %dma_wait3A_62] : memref<10240x64xf32, #tpu.memory_space<vmem_shared>> -> memref<10240x64xf32, #tpu.memory_space<vmem_shared>>
        tpu.wait_indirect_dma semaphore(%run_scoped3A : memref<!tpu.dma_semaphore, #tpu.memory_space<semaphore_mem>>) src(%arg9 : memref<125x64xf32, #tpu.memory_space<vmem>>) dst(%dma_wait3A_63 : memref<10240x64xf32, #tpu.memory_space<vmem_shared>>)
        tpu.yield
      }) : () -> ()
      %add3A = arith.constant 2 : i32
      %add3A_32 = arith.addi %mul3A_26, %add3A : i32
      %lt3A = arith.constant 160 : i32
      %lt3A_33 = arith.cmpi slt, %add3A_32, %lt3A : i32
      %convert_element_type3A = arith.extui %lt3A_33 : i1 to i32
      %cond3A = arith.constant 0 : i32
      %cond3A_34 = arith.cmpi ne, %convert_element_type3A, %cond3A : i32
      scf.if %cond3A_34 {
        %add3A_52 = arith.constant 2 : i32
        %add3A_53 = arith.addi %mul3A_26, %add3A_52 : i32
        %dma_start3A_54 = arith.constant 0 : i32
        %dma_start3A_55 = tpu.memref_slice %arg7[%add3A_53, %dma_start3A_54] : memref<160x125xi32, #tpu.memory_space<vmem>> -> memref<1x125xi32, #tpu.memory_space<vmem>>
        %dma_start3A_56 = tpu.memref_squeeze %dma_start3A_55 : memref<1x125xi32, #tpu.memory_space<vmem>> -> memref<125xi32, #tpu.memory_space<vmem>>
        %dma_start3A_57 = arith.constant 0 : i32
        %dma_start3A_58 = arith.constant 0 : i32
        %dma_start3A_59 = tpu.memref_slice %arg2[%dma_start3A_57, %dma_start3A_58] : memref<20480x64xf32, #tpu.memory_space<hbm>> -> memref<20480x64xf32, #tpu.memory_space<hbm>>
        tpu.enqueue_indirect_dma source(%dma_start3A_59 : memref<20480x64xf32, #tpu.memory_space<hbm>>) target(%arg9 : memref<125x64xf32, #tpu.memory_space<vmem>>) offsets(%dma_start3A_56 : memref<125xi32, #tpu.memory_space<vmem>>) semaphore(%arg12 : memref<!tpu.dma_semaphore, #tpu.memory_space<semaphore_mem>>)
      } else {
      }
      %add3A_35 = arith.constant 1 : i32
      %add3A_36 = arith.addi %mul3A_26, %add3A_35 : i32
      %dma_wait3A_37 = arith.constant 0 : i32
      %dma_wait3A_38 = tpu.memref_slice %arg7[%add3A_36, %dma_wait3A_37] : memref<160x125xi32, #tpu.memory_space<vmem>> -> memref<1x125xi32, #tpu.memory_space<vmem>>
      %dma_wait3A_39 = tpu.memref_squeeze %dma_wait3A_38 : memref<1x125xi32, #tpu.memory_space<vmem>> -> memref<125xi32, #tpu.memory_space<vmem>>
      %dma_wait3A_40 = arith.constant 0 : i32
      %dma_wait3A_41 = arith.constant 0 : i32
      %dma_wait3A_42 = tpu.memref_slice %arg2[%dma_wait3A_40, %dma_wait3A_41] : memref<20480x64xf32, #tpu.memory_space<hbm>> -> memref<20480x64xf32, #tpu.memory_space<hbm>>
      tpu.wait_indirect_dma semaphore(%arg13 : memref<!tpu.dma_semaphore, #tpu.memory_space<semaphore_mem>>) src(%dma_wait3A_42 : memref<20480x64xf32, #tpu.memory_space<hbm>>) dst(%arg10 : memref<125x64xf32, #tpu.memory_space<vmem>>)
      %add3A_43 = arith.constant 1 : i32
      %add3A_44 = arith.addi %mul3A_26, %add3A_43 : i32
      "tpu.region"() ({
        %run_scoped3A = tpu.sem_alloc : memref<!tpu.dma_semaphore, #tpu.memory_space<semaphore_mem>>
        %dma_start3A_52 = arith.constant 0 : i32
        %dma_start3A_53 = tpu.memref_slice %arg8[%add3A_44, %dma_start3A_52] : memref<160x125xi32, #tpu.memory_space<vmem>> -> memref<1x125xi32, #tpu.memory_space<vmem>>
        %dma_start3A_54 = tpu.memref_squeeze %dma_start3A_53 : memref<1x125xi32, #tpu.memory_space<vmem>> -> memref<125xi32, #tpu.memory_space<vmem>>
        %dma_start3A_55 = arith.constant 0 : i32
        %dma_start3A_56 = arith.constant 0 : i32
        %dma_start3A_57 = tpu.memref_slice %arg11[%dma_start3A_55, %dma_start3A_56] : memref<10240x64xf32, #tpu.memory_space<vmem_shared>> -> memref<10240x64xf32, #tpu.memory_space<vmem_shared>>
        tpu.enqueue_indirect_dma source(%arg10 : memref<125x64xf32, #tpu.memory_space<vmem>>) target(%dma_start3A_57 : memref<10240x64xf32, #tpu.memory_space<vmem_shared>>) offsets(%dma_start3A_54 : memref<125xi32, #tpu.memory_space<vmem>>) semaphore(%run_scoped3A : memref<!tpu.dma_semaphore, #tpu.memory_space<semaphore_mem>>) {add = true}
        %dma_wait3A_58 = arith.constant 0 : i32
        %dma_wait3A_59 = tpu.memref_slice %arg8[%add3A_44, %dma_wait3A_58] : memref<160x125xi32, #tpu.memory_space<vmem>> -> memref<1x125xi32, #tpu.memory_space<vmem>>
        %dma_wait3A_60 = tpu.memref_squeeze %dma_wait3A_59 : memref<1x125xi32, #tpu.memory_space<vmem>> -> memref<125xi32, #tpu.memory_space<vmem>>
        %dma_wait3A_61 = arith.constant 0 : i32
        %dma_wait3A_62 = arith.constant 0 : i32
        %dma_wait3A_63 = tpu.memref_slice %arg11[%dma_wait3A_61, %dma_wait3A_62] : memref<10240x64xf32, #tpu.memory_space<vmem_shared>> -> memref<10240x64xf32, #tpu.memory_space<vmem_shared>>
        tpu.wait_indirect_dma semaphore(%run_scoped3A : memref<!tpu.dma_semaphore, #tpu.memory_space<semaphore_mem>>) src(%arg10 : memref<125x64xf32, #tpu.memory_space<vmem>>) dst(%dma_wait3A_63 : memref<10240x64xf32, #tpu.memory_space<vmem_shared>>)
        tpu.yield
      }) : () -> ()
      %add3A_45 = arith.constant 3 : i32
      %add3A_46 = arith.addi %mul3A_26, %add3A_45 : i32
      %lt3A_47 = arith.constant 160 : i32
      %lt3A_48 = arith.cmpi slt, %add3A_46, %lt3A_47 : i32
      %convert_element_type3A_49 = arith.extui %lt3A_48 : i1 to i32
      %cond3A_50 = arith.constant 0 : i32
      %cond3A_51 = arith.cmpi ne, %convert_element_type3A_49, %cond3A_50 : i32
      scf.if %cond3A_51 {
        %add3A_52 = arith.constant 3 : i32
        %add3A_53 = arith.addi %mul3A_26, %add3A_52 : i32
        %dma_start3A_54 = arith.constant 0 : i32
        %dma_start3A_55 = tpu.memref_slice %arg7[%add3A_53, %dma_start3A_54] : memref<160x125xi32, #tpu.memory_space<vmem>> -> memref<1x125xi32, #tpu.memory_space<vmem>>
        %dma_start3A_56 = tpu.memref_squeeze %dma_start3A_55 : memref<1x125xi32, #tpu.memory_space<vmem>> -> memref<125xi32, #tpu.memory_space<vmem>>
        %dma_start3A_57 = arith.constant 0 : i32
        %dma_start3A_58 = arith.constant 0 : i32
        %dma_start3A_59 = tpu.memref_slice %arg2[%dma_start3A_57, %dma_start3A_58] : memref<20480x64xf32, #tpu.memory_space<hbm>> -> memref<20480x64xf32, #tpu.memory_space<hbm>>
        tpu.enqueue_indirect_dma source(%dma_start3A_59 : memref<20480x64xf32, #tpu.memory_space<hbm>>) target(%arg10 : memref<125x64xf32, #tpu.memory_space<vmem>>) offsets(%dma_start3A_56 : memref<125xi32, #tpu.memory_space<vmem>>) semaphore(%arg13 : memref<!tpu.dma_semaphore, #tpu.memory_space<semaphore_mem>>)
      } else {
      }
    }
    %scan3A_18 = arith.constant 80 : i32
    %barrier3A_19 = arith.constant 0 : index
    tpu.barrier barrier_id(%barrier3A_19)
    %mul3A_20 = arith.constant 640 : i32
    %mul3A_21 = arith.muli %arg1, %mul3A_20 : i32
    %mul3A_22 = arith.constant 640 : i32
    %mul3A_23 = arith.muli %arg1, %mul3A_22 : i32
    "tpu.region"() ({
      %run_scoped3A = tpu.sem_alloc : memref<!tpu.dma_semaphore, #tpu.memory_space<semaphore_mem>>
      %dma_start3A_24 = arith.constant 0 : i32
      %dma_start3A_25 = tpu.memref_slice %arg6[%arg0, %mul3A_23, %dma_start3A_24] : memref<2x10240x64xf32, #tpu.memory_space<hbm>> -> memref<1x640x64xf32, #tpu.memory_space<hbm>>
      %dma_start3A_26 = tpu.memref_squeeze %dma_start3A_25 : memref<1x640x64xf32, #tpu.memory_space<hbm>> -> memref<640x64xf32, #tpu.memory_space<hbm>>
      %dma_start3A_27 = arith.constant 0 : i32
      %dma_start3A_28 = tpu.memref_slice %arg11[%mul3A_21, %dma_start3A_27] : memref<10240x64xf32, #tpu.memory_space<vmem_shared>> -> memref<640x64xf32, #tpu.memory_space<vmem_shared>>
      tpu.enqueue_dma source(%dma_start3A_28 : memref<640x64xf32, #tpu.memory_space<vmem_shared>>) target(%dma_start3A_26 : memref<640x64xf32, #tpu.memory_space<hbm>>) target_semaphore(%run_scoped3A : memref<!tpu.dma_semaphore, #tpu.memory_space<semaphore_mem>>)
      %dma_wait3A = arith.constant 0 : i32
      %dma_wait3A_29 = tpu.memref_slice %arg6[%arg0, %mul3A_23, %dma_wait3A] : memref<2x10240x64xf32, #tpu.memory_space<hbm>> -> memref<1x640x64xf32, #tpu.memory_space<hbm>>
      %dma_wait3A_30 = tpu.memref_squeeze %dma_wait3A_29 : memref<1x640x64xf32, #tpu.memory_space<hbm>> -> memref<640x64xf32, #tpu.memory_space<hbm>>
      %dma_wait3A_31 = arith.constant 0 : i32
      %dma_wait3A_32 = tpu.memref_slice %arg11[%mul3A_21, %dma_wait3A_31] : memref<10240x64xf32, #tpu.memory_space<vmem_shared>> -> memref<640x64xf32, #tpu.memory_space<vmem_shared>>
      tpu.wait_dma2 semaphore(%run_scoped3A : memref<!tpu.dma_semaphore, #tpu.memory_space<semaphore_mem>>) src(%dma_wait3A_32 : memref<640x64xf32, #tpu.memory_space<vmem_shared>>) dst(%dma_wait3A_30 : memref<640x64xf32, #tpu.memory_space<hbm>>)
      tpu.yield
    }) : () -> ()
    return
  }
}

#map = affine_map<(d0, d1) -> (0, 0, 0)>
#map1 = affine_map<(d0, d1) -> (0, 0)>
module attributes {stable_mosaic.version = 14 : i64} {
  func.func @_sc_count(%arg0: i32, %arg1: i32, %arg2: memref<32x200x50xi32, #tpu.memory_space<hbm>>, %arg3: memref<640x16xf32, #tpu.memory_space<hbm>>, %arg4: memref<50x16xf32, #tpu.memory_space<hbm>>, %arg5: memref<2x10240x16xf32, #tpu.memory_space<hbm>>, %arg6: memref<200x50xi32, #tpu.memory_space<vmem>>, %arg7: memref<50x16xf32, #tpu.memory_space<vmem>>, %arg8: memref<10240x16xf32, #tpu.memory_space<vmem_shared>>) attributes {dimension_semantics = [#tpu.dimension_semantics<core_parallel>, #tpu.dimension_semantics<subcore_parallel>], iteration_bounds = array<i64: 2, 16>, scalar_prefetch = 0 : i64, scratch_operands = 3 : i64, tpu.core_type = #tpu.core_type<sc_vector_subcore>, window_params = [{transform_indices = #map}, {transform_indices = #map1}, {transform_indices = #map1}, {transform_indices = #map}]} {
    %mul3A = arith.constant 2 : i32
    %mul3A_0 = arith.muli %arg1, %mul3A : i32
    %add3A = arith.addi %mul3A_0, %arg0 : i32
    %mul3A_1 = arith.constant 640 : i32
    %mul3A_2 = arith.muli %arg1, %mul3A_1 : i32
    "tpu.region"() ({
      %run_scoped3A = tpu.sem_alloc : memref<!tpu.dma_semaphore, #tpu.memory_space<semaphore_mem>>
      %dma_start3A = arith.constant 0 : i32
      %dma_start3A_13 = tpu.memref_slice %arg8[%mul3A_2, %dma_start3A] : memref<10240x16xf32, #tpu.memory_space<vmem_shared>> -> memref<640x16xf32, #tpu.memory_space<vmem_shared>>
      tpu.enqueue_dma source(%arg3 : memref<640x16xf32, #tpu.memory_space<hbm>>) target(%dma_start3A_13 : memref<640x16xf32, #tpu.memory_space<vmem_shared>>) target_semaphore(%run_scoped3A : memref<!tpu.dma_semaphore, #tpu.memory_space<semaphore_mem>>)
      %dma_wait3A = arith.constant 0 : i32
      %dma_wait3A_14 = tpu.memref_slice %arg8[%mul3A_2, %dma_wait3A] : memref<10240x16xf32, #tpu.memory_space<vmem_shared>> -> memref<640x16xf32, #tpu.memory_space<vmem_shared>>
      tpu.wait_dma2 semaphore(%run_scoped3A : memref<!tpu.dma_semaphore, #tpu.memory_space<semaphore_mem>>) src(%arg3 : memref<640x16xf32, #tpu.memory_space<hbm>>) dst(%dma_wait3A_14 : memref<640x16xf32, #tpu.memory_space<vmem_shared>>)
      tpu.yield
    }) : () -> ()
    "tpu.region"() ({
      %run_scoped3A = tpu.sem_alloc : memref<!tpu.dma_semaphore, #tpu.memory_space<semaphore_mem>>
      tpu.enqueue_dma source(%arg4 : memref<50x16xf32, #tpu.memory_space<hbm>>) target(%arg7 : memref<50x16xf32, #tpu.memory_space<vmem>>) target_semaphore(%run_scoped3A : memref<!tpu.dma_semaphore, #tpu.memory_space<semaphore_mem>>)
      tpu.wait_dma2 semaphore(%run_scoped3A : memref<!tpu.dma_semaphore, #tpu.memory_space<semaphore_mem>>) src(%arg4 : memref<50x16xf32, #tpu.memory_space<hbm>>) dst(%arg7 : memref<50x16xf32, #tpu.memory_space<vmem>>)
      tpu.yield
    }) : () -> ()
    "tpu.region"() ({
      %run_scoped3A = tpu.sem_alloc : memref<!tpu.dma_semaphore, #tpu.memory_space<semaphore_mem>>
      %dma_start3A = arith.constant 0 : i32
      %dma_start3A_13 = arith.constant 0 : i32
      %dma_start3A_14 = tpu.memref_slice %arg2[%add3A, %dma_start3A, %dma_start3A_13] : memref<32x200x50xi32, #tpu.memory_space<hbm>> -> memref<1x200x50xi32, #tpu.memory_space<hbm>>
      %dma_start3A_15 = tpu.memref_squeeze %dma_start3A_14 : memref<1x200x50xi32, #tpu.memory_space<hbm>> -> memref<200x50xi32, #tpu.memory_space<hbm>>
      %dma_start3A_16 = arith.constant 0 : i32
      %dma_start3A_17 = arith.constant 0 : i32
      %dma_start3A_18 = tpu.memref_slice %arg2[%add3A, %dma_start3A_16, %dma_start3A_17] : memref<32x200x50xi32, #tpu.memory_space<hbm>> -> memref<1x200x50xi32, #tpu.memory_space<hbm>>
      %dma_start3A_19 = tpu.memref_squeeze %dma_start3A_18 : memref<1x200x50xi32, #tpu.memory_space<hbm>> -> memref<200x50xi32, #tpu.memory_space<hbm>>
      tpu.enqueue_dma source(%dma_start3A_19 : memref<200x50xi32, #tpu.memory_space<hbm>>) target(%arg6 : memref<200x50xi32, #tpu.memory_space<vmem>>) target_semaphore(%run_scoped3A : memref<!tpu.dma_semaphore, #tpu.memory_space<semaphore_mem>>)
      %dma_wait3A = arith.constant 0 : i32
      %dma_wait3A_20 = arith.constant 0 : i32
      %dma_wait3A_21 = tpu.memref_slice %arg2[%add3A, %dma_wait3A, %dma_wait3A_20] : memref<32x200x50xi32, #tpu.memory_space<hbm>> -> memref<1x200x50xi32, #tpu.memory_space<hbm>>
      %dma_wait3A_22 = tpu.memref_squeeze %dma_wait3A_21 : memref<1x200x50xi32, #tpu.memory_space<hbm>> -> memref<200x50xi32, #tpu.memory_space<hbm>>
      %dma_wait3A_23 = arith.constant 0 : i32
      %dma_wait3A_24 = arith.constant 0 : i32
      %dma_wait3A_25 = tpu.memref_slice %arg2[%add3A, %dma_wait3A_23, %dma_wait3A_24] : memref<32x200x50xi32, #tpu.memory_space<hbm>> -> memref<1x200x50xi32, #tpu.memory_space<hbm>>
      %dma_wait3A_26 = tpu.memref_squeeze %dma_wait3A_25 : memref<1x200x50xi32, #tpu.memory_space<hbm>> -> memref<200x50xi32, #tpu.memory_space<hbm>>
      tpu.wait_dma2 semaphore(%run_scoped3A : memref<!tpu.dma_semaphore, #tpu.memory_space<semaphore_mem>>) src(%dma_wait3A_26 : memref<200x50xi32, #tpu.memory_space<hbm>>) dst(%arg6 : memref<200x50xi32, #tpu.memory_space<vmem>>)
      tpu.yield
    }) : () -> ()
    %barrier3A = arith.constant 0 : index
    tpu.barrier barrier_id(%barrier3A)
    %scan3A = arith.constant 0 : i32
    %scan3A_3 = arith.constant 0 : i32
    %scan3A_4 = arith.constant 200 : i32
    %scan3A_5 = arith.addi %scan3A_3, %scan3A_4 : i32
    %scan3A_6 = arith.constant 1 : i32
    scf.for %scan3A_13 = %scan3A_3 to %scan3A_5 step %scan3A_6  : i32 {
      "tpu.region"() ({
        %run_scoped3A = tpu.sem_alloc : memref<!tpu.dma_semaphore, #tpu.memory_space<semaphore_mem>>
        %dma_start3A = arith.constant 0 : i32
        %dma_start3A_14 = tpu.memref_slice %arg6[%scan3A_13, %dma_start3A] : memref<200x50xi32, #tpu.memory_space<vmem>> -> memref<1x50xi32, #tpu.memory_space<vmem>>
        %dma_start3A_15 = tpu.memref_squeeze %dma_start3A_14 : memref<1x50xi32, #tpu.memory_space<vmem>> -> memref<50xi32, #tpu.memory_space<vmem>>
        %dma_start3A_16 = arith.constant 0 : i32
        %dma_start3A_17 = arith.constant 0 : i32
        %dma_start3A_18 = tpu.memref_slice %arg8[%dma_start3A_16, %dma_start3A_17] : memref<10240x16xf32, #tpu.memory_space<vmem_shared>> -> memref<10240x16xf32, #tpu.memory_space<vmem_shared>>
        tpu.enqueue_indirect_dma source(%arg7 : memref<50x16xf32, #tpu.memory_space<vmem>>) target(%dma_start3A_18 : memref<10240x16xf32, #tpu.memory_space<vmem_shared>>) offsets(%dma_start3A_15 : memref<50xi32, #tpu.memory_space<vmem>>) semaphore(%run_scoped3A : memref<!tpu.dma_semaphore, #tpu.memory_space<semaphore_mem>>) {add = true}
        %dma_wait3A = arith.constant 0 : i32
        %dma_wait3A_19 = tpu.memref_slice %arg6[%scan3A_13, %dma_wait3A] : memref<200x50xi32, #tpu.memory_space<vmem>> -> memref<1x50xi32, #tpu.memory_space<vmem>>
        %dma_wait3A_20 = tpu.memref_squeeze %dma_wait3A_19 : memref<1x50xi32, #tpu.memory_space<vmem>> -> memref<50xi32, #tpu.memory_space<vmem>>
        %dma_wait3A_21 = arith.constant 0 : i32
        %dma_wait3A_22 = arith.constant 0 : i32
        %dma_wait3A_23 = tpu.memref_slice %arg8[%dma_wait3A_21, %dma_wait3A_22] : memref<10240x16xf32, #tpu.memory_space<vmem_shared>> -> memref<10240x16xf32, #tpu.memory_space<vmem_shared>>
        tpu.wait_indirect_dma semaphore(%run_scoped3A : memref<!tpu.dma_semaphore, #tpu.memory_space<semaphore_mem>>) src(%arg7 : memref<50x16xf32, #tpu.memory_space<vmem>>) dst(%dma_wait3A_23 : memref<10240x16xf32, #tpu.memory_space<vmem_shared>>)
        tpu.yield
      }) : () -> ()
    }
    %scan3A_7 = arith.constant 200 : i32
    %barrier3A_8 = arith.constant 0 : index
    tpu.barrier barrier_id(%barrier3A_8)
    %mul3A_9 = arith.constant 640 : i32
    %mul3A_10 = arith.muli %arg1, %mul3A_9 : i32
    %mul3A_11 = arith.constant 640 : i32
    %mul3A_12 = arith.muli %arg1, %mul3A_11 : i32
    "tpu.region"() ({
      %run_scoped3A = tpu.sem_alloc : memref<!tpu.dma_semaphore, #tpu.memory_space<semaphore_mem>>
      %dma_start3A = arith.constant 0 : i32
      %dma_start3A_13 = tpu.memref_slice %arg5[%arg0, %mul3A_12, %dma_start3A] : memref<2x10240x16xf32, #tpu.memory_space<hbm>> -> memref<1x640x16xf32, #tpu.memory_space<hbm>>
      %dma_start3A_14 = tpu.memref_squeeze %dma_start3A_13 : memref<1x640x16xf32, #tpu.memory_space<hbm>> -> memref<640x16xf32, #tpu.memory_space<hbm>>
      %dma_start3A_15 = arith.constant 0 : i32
      %dma_start3A_16 = tpu.memref_slice %arg8[%mul3A_10, %dma_start3A_15] : memref<10240x16xf32, #tpu.memory_space<vmem_shared>> -> memref<640x16xf32, #tpu.memory_space<vmem_shared>>
      tpu.enqueue_dma source(%dma_start3A_16 : memref<640x16xf32, #tpu.memory_space<vmem_shared>>) target(%dma_start3A_14 : memref<640x16xf32, #tpu.memory_space<hbm>>) target_semaphore(%run_scoped3A : memref<!tpu.dma_semaphore, #tpu.memory_space<semaphore_mem>>)
      %dma_wait3A = arith.constant 0 : i32
      %dma_wait3A_17 = tpu.memref_slice %arg5[%arg0, %mul3A_12, %dma_wait3A] : memref<2x10240x16xf32, #tpu.memory_space<hbm>> -> memref<1x640x16xf32, #tpu.memory_space<hbm>>
      %dma_wait3A_18 = tpu.memref_squeeze %dma_wait3A_17 : memref<1x640x16xf32, #tpu.memory_space<hbm>> -> memref<640x16xf32, #tpu.memory_space<hbm>>
      %dma_wait3A_19 = arith.constant 0 : i32
      %dma_wait3A_20 = tpu.memref_slice %arg8[%mul3A_10, %dma_wait3A_19] : memref<10240x16xf32, #tpu.memory_space<vmem_shared>> -> memref<640x16xf32, #tpu.memory_space<vmem_shared>>
      tpu.wait_dma2 semaphore(%run_scoped3A : memref<!tpu.dma_semaphore, #tpu.memory_space<semaphore_mem>>) src(%dma_wait3A_20 : memref<640x16xf32, #tpu.memory_space<vmem_shared>>) dst(%dma_wait3A_18 : memref<640x16xf32, #tpu.memory_space<hbm>>)
      tpu.yield
    }) : () -> ()
    return
  }
}

#map = affine_map<(d0, d1) -> (0, 0)>
#map1 = affine_map<(d0, d1) -> (0, 0, 0, 0)>
#map2 = affine_map<(d0, d1) -> (0, 0, 0)>
module attributes {stable_mosaic.version = 14 : i64} {
  func.func @agg(%arg0: i32, %arg1: i32, %arg2: memref<20480x64xf32, #tpu.memory_space<hbm>>, %arg3: memref<2x16x160x125xi32, #tpu.memory_space<hbm>>, %arg4: memref<16x160x125xi32, #tpu.memory_space<hbm>>, %arg5: memref<640x64xf32, #tpu.memory_space<hbm>>, %arg6: memref<2x10240x64xf32, #tpu.memory_space<hbm>>, %arg7: memref<160x125xi32, #tpu.memory_space<vmem>>, %arg8: memref<160x125xi32, #tpu.memory_space<vmem>>, %arg9: memref<125x64xf32, #tpu.memory_space<vmem>>, %arg10: memref<125x64xf32, #tpu.memory_space<vmem>>, %arg11: memref<10240x64xf32, #tpu.memory_space<vmem_shared>>, %arg12: memref<!tpu.dma_semaphore, #tpu.memory_space<semaphore_mem>>, %arg13: memref<!tpu.dma_semaphore, #tpu.memory_space<semaphore_mem>>) attributes {dimension_semantics = [#tpu.dimension_semantics<core_parallel>, #tpu.dimension_semantics<subcore_parallel>], iteration_bounds = array<i64: 2, 16>, scalar_prefetch = 0 : i64, scratch_operands = 7 : i64, tpu.core_type = #tpu.core_type<sc_vector_subcore>, window_params = [{transform_indices = #map}, {transform_indices = #map1}, {transform_indices = #map2}, {transform_indices = #map}, {transform_indices = #map2}]} {
    %mul3A = arith.constant 640 : i32
    %mul3A_0 = arith.muli %arg1, %mul3A : i32
    "tpu.region"() ({
      %run_scoped3A = tpu.sem_alloc : memref<!tpu.dma_semaphore, #tpu.memory_space<semaphore_mem>>
      %dma_start3A_24 = arith.constant 0 : i32
      %dma_start3A_25 = tpu.memref_slice %arg11[%mul3A_0, %dma_start3A_24] : memref<10240x64xf32, #tpu.memory_space<vmem_shared>> -> memref<640x64xf32, #tpu.memory_space<vmem_shared>>
      tpu.enqueue_dma source(%arg5 : memref<640x64xf32, #tpu.memory_space<hbm>>) target(%dma_start3A_25 : memref<640x64xf32, #tpu.memory_space<vmem_shared>>) target_semaphore(%run_scoped3A : memref<!tpu.dma_semaphore, #tpu.memory_space<semaphore_mem>>)
      %dma_wait3A = arith.constant 0 : i32
      %dma_wait3A_26 = tpu.memref_slice %arg11[%mul3A_0, %dma_wait3A] : memref<10240x64xf32, #tpu.memory_space<vmem_shared>> -> memref<640x64xf32, #tpu.memory_space<vmem_shared>>
      tpu.wait_dma2 semaphore(%run_scoped3A : memref<!tpu.dma_semaphore, #tpu.memory_space<semaphore_mem>>) src(%arg5 : memref<640x64xf32, #tpu.memory_space<hbm>>) dst(%dma_wait3A_26 : memref<640x64xf32, #tpu.memory_space<vmem_shared>>)
      tpu.yield
    }) : () -> ()
    "tpu.region"() ({
      %run_scoped3A = tpu.sem_alloc : memref<!tpu.dma_semaphore, #tpu.memory_space<semaphore_mem>>
      %dma_start3A_24 = arith.constant 0 : i32
      %dma_start3A_25 = arith.constant 0 : i32
      %dma_start3A_26 = tpu.memref_slice %arg3[%arg0, %arg1, %dma_start3A_24, %dma_start3A_25] : memref<2x16x160x125xi32, #tpu.memory_space<hbm>> -> memref<1x1x160x125xi32, #tpu.memory_space<hbm>>
      %dma_start3A_27 = tpu.memref_squeeze %dma_start3A_26 : memref<1x1x160x125xi32, #tpu.memory_space<hbm>> -> memref<160x125xi32, #tpu.memory_space<hbm>>
      %dma_start3A_28 = arith.constant 0 : i32
      %dma_start3A_29 = arith.constant 0 : i32
      %dma_start3A_30 = tpu.memref_slice %arg3[%arg0, %arg1, %dma_start3A_28, %dma_start3A_29] : memref<2x16x160x125xi32, #tpu.memory_space<hbm>> -> memref<1x1x160x125xi32, #tpu.memory_space<hbm>>
      %dma_start3A_31 = tpu.memref_squeeze %dma_start3A_30 : memref<1x1x160x125xi32, #tpu.memory_space<hbm>> -> memref<160x125xi32, #tpu.memory_space<hbm>>
      tpu.enqueue_dma source(%dma_start3A_31 : memref<160x125xi32, #tpu.memory_space<hbm>>) target(%arg7 : memref<160x125xi32, #tpu.memory_space<vmem>>) target_semaphore(%run_scoped3A : memref<!tpu.dma_semaphore, #tpu.memory_space<semaphore_mem>>)
      %dma_wait3A = arith.constant 0 : i32
      %dma_wait3A_32 = arith.constant 0 : i32
      %dma_wait3A_33 = tpu.memref_slice %arg3[%arg0, %arg1, %dma_wait3A, %dma_wait3A_32] : memref<2x16x160x125xi32, #tpu.memory_space<hbm>> -> memref<1x1x160x125xi32, #tpu.memory_space<hbm>>
      %dma_wait3A_34 = tpu.memref_squeeze %dma_wait3A_33 : memref<1x1x160x125xi32, #tpu.memory_space<hbm>> -> memref<160x125xi32, #tpu.memory_space<hbm>>
      %dma_wait3A_35 = arith.constant 0 : i32
      %dma_wait3A_36 = arith.constant 0 : i32
      %dma_wait3A_37 = tpu.memref_slice %arg3[%arg0, %arg1, %dma_wait3A_35, %dma_wait3A_36] : memref<2x16x160x125xi32, #tpu.memory_space<hbm>> -> memref<1x1x160x125xi32, #tpu.memory_space<hbm>>
      %dma_wait3A_38 = tpu.memref_squeeze %dma_wait3A_37 : memref<1x1x160x125xi32, #tpu.memory_space<hbm>> -> memref<160x125xi32, #tpu.memory_space<hbm>>
      tpu.wait_dma2 semaphore(%run_scoped3A : memref<!tpu.dma_semaphore, #tpu.memory_space<semaphore_mem>>) src(%dma_wait3A_38 : memref<160x125xi32, #tpu.memory_space<hbm>>) dst(%arg7 : memref<160x125xi32, #tpu.memory_space<vmem>>)
      tpu.yield
    }) : () -> ()
    "tpu.region"() ({
      %run_scoped3A = tpu.sem_alloc : memref<!tpu.dma_semaphore, #tpu.memory_space<semaphore_mem>>
      %dma_start3A_24 = arith.constant 0 : i32
      %dma_start3A_25 = arith.constant 0 : i32
      %dma_start3A_26 = tpu.memref_slice %arg4[%arg1, %dma_start3A_24, %dma_start3A_25] : memref<16x160x125xi32, #tpu.memory_space<hbm>> -> memref<1x160x125xi32, #tpu.memory_space<hbm>>
      %dma_start3A_27 = tpu.memref_squeeze %dma_start3A_26 : memref<1x160x125xi32, #tpu.memory_space<hbm>> -> memref<160x125xi32, #tpu.memory_space<hbm>>
      %dma_start3A_28 = arith.constant 0 : i32
      %dma_start3A_29 = arith.constant 0 : i32
      %dma_start3A_30 = tpu.memref_slice %arg4[%arg1, %dma_start3A_28, %dma_start3A_29] : memref<16x160x125xi32, #tpu.memory_space<hbm>> -> memref<1x160x125xi32, #tpu.memory_space<hbm>>
      %dma_start3A_31 = tpu.memref_squeeze %dma_start3A_30 : memref<1x160x125xi32, #tpu.memory_space<hbm>> -> memref<160x125xi32, #tpu.memory_space<hbm>>
      tpu.enqueue_dma source(%dma_start3A_31 : memref<160x125xi32, #tpu.memory_space<hbm>>) target(%arg8 : memref<160x125xi32, #tpu.memory_space<vmem>>) target_semaphore(%run_scoped3A : memref<!tpu.dma_semaphore, #tpu.memory_space<semaphore_mem>>)
      %dma_wait3A = arith.constant 0 : i32
      %dma_wait3A_32 = arith.constant 0 : i32
      %dma_wait3A_33 = tpu.memref_slice %arg4[%arg1, %dma_wait3A, %dma_wait3A_32] : memref<16x160x125xi32, #tpu.memory_space<hbm>> -> memref<1x160x125xi32, #tpu.memory_space<hbm>>
      %dma_wait3A_34 = tpu.memref_squeeze %dma_wait3A_33 : memref<1x160x125xi32, #tpu.memory_space<hbm>> -> memref<160x125xi32, #tpu.memory_space<hbm>>
      %dma_wait3A_35 = arith.constant 0 : i32
      %dma_wait3A_36 = arith.constant 0 : i32
      %dma_wait3A_37 = tpu.memref_slice %arg4[%arg1, %dma_wait3A_35, %dma_wait3A_36] : memref<16x160x125xi32, #tpu.memory_space<hbm>> -> memref<1x160x125xi32, #tpu.memory_space<hbm>>
      %dma_wait3A_38 = tpu.memref_squeeze %dma_wait3A_37 : memref<1x160x125xi32, #tpu.memory_space<hbm>> -> memref<160x125xi32, #tpu.memory_space<hbm>>
      tpu.wait_dma2 semaphore(%run_scoped3A : memref<!tpu.dma_semaphore, #tpu.memory_space<semaphore_mem>>) src(%dma_wait3A_38 : memref<160x125xi32, #tpu.memory_space<hbm>>) dst(%arg8 : memref<160x125xi32, #tpu.memory_space<vmem>>)
      tpu.yield
    }) : () -> ()
    %barrier3A = arith.constant 0 : index
    tpu.barrier barrier_id(%barrier3A)
    %dma_start3A = arith.constant 0 : i32
    %dma_start3A_1 = arith.constant 0 : i32
    %dma_start3A_2 = tpu.memref_slice %arg7[%dma_start3A, %dma_start3A_1] : memref<160x125xi32, #tpu.memory_space<vmem>> -> memref<1x125xi32, #tpu.memory_space<vmem>>
    %dma_start3A_3 = tpu.memref_squeeze %dma_start3A_2 : memref<1x125xi32, #tpu.memory_space<vmem>> -> memref<125xi32, #tpu.memory_space<vmem>>
    %dma_start3A_4 = arith.constant 0 : i32
    %dma_start3A_5 = arith.constant 0 : i32
    %dma_start3A_6 = tpu.memref_slice %arg2[%dma_start3A_4, %dma_start3A_5] : memref<20480x64xf32, #tpu.memory_space<hbm>> -> memref<20480x64xf32, #tpu.memory_space<hbm>>
    tpu.enqueue_indirect_dma source(%dma_start3A_6 : memref<20480x64xf32, #tpu.memory_space<hbm>>) target(%arg9 : memref<125x64xf32, #tpu.memory_space<vmem>>) offsets(%dma_start3A_3 : memref<125xi32, #tpu.memory_space<vmem>>) semaphore(%arg12 : memref<!tpu.dma_semaphore, #tpu.memory_space<semaphore_mem>>)
    %dma_start3A_7 = arith.constant 1 : i32
    %dma_start3A_8 = arith.constant 0 : i32
    %dma_start3A_9 = tpu.memref_slice %arg7[%dma_start3A_7, %dma_start3A_8] : memref<160x125xi32, #tpu.memory_space<vmem>> -> memref<1x125xi32, #tpu.memory_space<vmem>>
    %dma_start3A_10 = tpu.memref_squeeze %dma_start3A_9 : memref<1x125xi32, #tpu.memory_space<vmem>> -> memref<125xi32, #tpu.memory_space<vmem>>
    %dma_start3A_11 = arith.constant 0 : i32
    %dma_start3A_12 = arith.constant 0 : i32
    %dma_start3A_13 = tpu.memref_slice %arg2[%dma_start3A_11, %dma_start3A_12] : memref<20480x64xf32, #tpu.memory_space<hbm>> -> memref<20480x64xf32, #tpu.memory_space<hbm>>
    tpu.enqueue_indirect_dma source(%dma_start3A_13 : memref<20480x64xf32, #tpu.memory_space<hbm>>) target(%arg10 : memref<125x64xf32, #tpu.memory_space<vmem>>) offsets(%dma_start3A_10 : memref<125xi32, #tpu.memory_space<vmem>>) semaphore(%arg13 : memref<!tpu.dma_semaphore, #tpu.memory_space<semaphore_mem>>)
    %scan3A = arith.constant 0 : i32
    %scan3A_14 = arith.constant 0 : i32
    %scan3A_15 = arith.constant 80 : i32
    %scan3A_16 = arith.addi %scan3A_14, %scan3A_15 : i32
    %scan3A_17 = arith.constant 1 : i32
    scf.for %scan3A_24 = %scan3A_14 to %scan3A_16 step %scan3A_17  : i32 {
      %mul3A_25 = arith.constant 2 : i32
      %mul3A_26 = arith.muli %mul3A_25, %scan3A_24 : i32
      %dma_wait3A = arith.constant 0 : i32
      %dma_wait3A_27 = tpu.memref_slice %arg7[%mul3A_26, %dma_wait3A] : memref<160x125xi32, #tpu.memory_space<vmem>> -> memref<1x125xi32, #tpu.memory_space<vmem>>
      %dma_wait3A_28 = tpu.memref_squeeze %dma_wait3A_27 : memref<1x125xi32, #tpu.memory_space<vmem>> -> memref<125xi32, #tpu.memory_space<vmem>>
      %dma_wait3A_29 = arith.constant 0 : i32
      %dma_wait3A_30 = arith.constant 0 : i32
      %dma_wait3A_31 = tpu.memref_slice %arg2[%dma_wait3A_29, %dma_wait3A_30] : memref<20480x64xf32, #tpu.memory_space<hbm>> -> memref<20480x64xf32, #tpu.memory_space<hbm>>
      tpu.wait_indirect_dma semaphore(%arg12 : memref<!tpu.dma_semaphore, #tpu.memory_space<semaphore_mem>>) src(%dma_wait3A_31 : memref<20480x64xf32, #tpu.memory_space<hbm>>) dst(%arg9 : memref<125x64xf32, #tpu.memory_space<vmem>>)
      "tpu.region"() ({
        %run_scoped3A = tpu.sem_alloc : memref<!tpu.dma_semaphore, #tpu.memory_space<semaphore_mem>>
        %dma_start3A_52 = arith.constant 0 : i32
        %dma_start3A_53 = tpu.memref_slice %arg8[%mul3A_26, %dma_start3A_52] : memref<160x125xi32, #tpu.memory_space<vmem>> -> memref<1x125xi32, #tpu.memory_space<vmem>>
        %dma_start3A_54 = tpu.memref_squeeze %dma_start3A_53 : memref<1x125xi32, #tpu.memory_space<vmem>> -> memref<125xi32, #tpu.memory_space<vmem>>
        %dma_start3A_55 = arith.constant 0 : i32
        %dma_start3A_56 = arith.constant 0 : i32
        %dma_start3A_57 = tpu.memref_slice %arg11[%dma_start3A_55, %dma_start3A_56] : memref<10240x64xf32, #tpu.memory_space<vmem_shared>> -> memref<10240x64xf32, #tpu.memory_space<vmem_shared>>
        tpu.enqueue_indirect_dma source(%arg9 : memref<125x64xf32, #tpu.memory_space<vmem>>) target(%dma_start3A_57 : memref<10240x64xf32, #tpu.memory_space<vmem_shared>>) offsets(%dma_start3A_54 : memref<125xi32, #tpu.memory_space<vmem>>) semaphore(%run_scoped3A : memref<!tpu.dma_semaphore, #tpu.memory_space<semaphore_mem>>) {add = true}
        %dma_wait3A_58 = arith.constant 0 : i32
        %dma_wait3A_59 = tpu.memref_slice %arg8[%mul3A_26, %dma_wait3A_58] : memref<160x125xi32, #tpu.memory_space<vmem>> -> memref<1x125xi32, #tpu.memory_space<vmem>>
        %dma_wait3A_60 = tpu.memref_squeeze %dma_wait3A_59 : memref<1x125xi32, #tpu.memory_space<vmem>> -> memref<125xi32, #tpu.memory_space<vmem>>
        %dma_wait3A_61 = arith.constant 0 : i32
        %dma_wait3A_62 = arith.constant 0 : i32
        %dma_wait3A_63 = tpu.memref_slice %arg11[%dma_wait3A_61, %dma_wait3A_62] : memref<10240x64xf32, #tpu.memory_space<vmem_shared>> -> memref<10240x64xf32, #tpu.memory_space<vmem_shared>>
        tpu.wait_indirect_dma semaphore(%run_scoped3A : memref<!tpu.dma_semaphore, #tpu.memory_space<semaphore_mem>>) src(%arg9 : memref<125x64xf32, #tpu.memory_space<vmem>>) dst(%dma_wait3A_63 : memref<10240x64xf32, #tpu.memory_space<vmem_shared>>)
        tpu.yield
      }) : () -> ()
      %add3A = arith.constant 2 : i32
      %add3A_32 = arith.addi %mul3A_26, %add3A : i32
      %lt3A = arith.constant 160 : i32
      %lt3A_33 = arith.cmpi slt, %add3A_32, %lt3A : i32
      %convert_element_type3A = arith.extui %lt3A_33 : i1 to i32
      %cond3A = arith.constant 0 : i32
      %cond3A_34 = arith.cmpi ne, %convert_element_type3A, %cond3A : i32
      scf.if %cond3A_34 {
        %add3A_52 = arith.constant 2 : i32
        %add3A_53 = arith.addi %mul3A_26, %add3A_52 : i32
        %dma_start3A_54 = arith.constant 0 : i32
        %dma_start3A_55 = tpu.memref_slice %arg7[%add3A_53, %dma_start3A_54] : memref<160x125xi32, #tpu.memory_space<vmem>> -> memref<1x125xi32, #tpu.memory_space<vmem>>
        %dma_start3A_56 = tpu.memref_squeeze %dma_start3A_55 : memref<1x125xi32, #tpu.memory_space<vmem>> -> memref<125xi32, #tpu.memory_space<vmem>>
        %dma_start3A_57 = arith.constant 0 : i32
        %dma_start3A_58 = arith.constant 0 : i32
        %dma_start3A_59 = tpu.memref_slice %arg2[%dma_start3A_57, %dma_start3A_58] : memref<20480x64xf32, #tpu.memory_space<hbm>> -> memref<20480x64xf32, #tpu.memory_space<hbm>>
        tpu.enqueue_indirect_dma source(%dma_start3A_59 : memref<20480x64xf32, #tpu.memory_space<hbm>>) target(%arg9 : memref<125x64xf32, #tpu.memory_space<vmem>>) offsets(%dma_start3A_56 : memref<125xi32, #tpu.memory_space<vmem>>) semaphore(%arg12 : memref<!tpu.dma_semaphore, #tpu.memory_space<semaphore_mem>>)
      } else {
      }
      %add3A_35 = arith.constant 1 : i32
      %add3A_36 = arith.addi %mul3A_26, %add3A_35 : i32
      %dma_wait3A_37 = arith.constant 0 : i32
      %dma_wait3A_38 = tpu.memref_slice %arg7[%add3A_36, %dma_wait3A_37] : memref<160x125xi32, #tpu.memory_space<vmem>> -> memref<1x125xi32, #tpu.memory_space<vmem>>
      %dma_wait3A_39 = tpu.memref_squeeze %dma_wait3A_38 : memref<1x125xi32, #tpu.memory_space<vmem>> -> memref<125xi32, #tpu.memory_space<vmem>>
      %dma_wait3A_40 = arith.constant 0 : i32
      %dma_wait3A_41 = arith.constant 0 : i32
      %dma_wait3A_42 = tpu.memref_slice %arg2[%dma_wait3A_40, %dma_wait3A_41] : memref<20480x64xf32, #tpu.memory_space<hbm>> -> memref<20480x64xf32, #tpu.memory_space<hbm>>
      tpu.wait_indirect_dma semaphore(%arg13 : memref<!tpu.dma_semaphore, #tpu.memory_space<semaphore_mem>>) src(%dma_wait3A_42 : memref<20480x64xf32, #tpu.memory_space<hbm>>) dst(%arg10 : memref<125x64xf32, #tpu.memory_space<vmem>>)
      %add3A_43 = arith.constant 1 : i32
      %add3A_44 = arith.addi %mul3A_26, %add3A_43 : i32
      "tpu.region"() ({
        %run_scoped3A = tpu.sem_alloc : memref<!tpu.dma_semaphore, #tpu.memory_space<semaphore_mem>>
        %dma_start3A_52 = arith.constant 0 : i32
        %dma_start3A_53 = tpu.memref_slice %arg8[%add3A_44, %dma_start3A_52] : memref<160x125xi32, #tpu.memory_space<vmem>> -> memref<1x125xi32, #tpu.memory_space<vmem>>
        %dma_start3A_54 = tpu.memref_squeeze %dma_start3A_53 : memref<1x125xi32, #tpu.memory_space<vmem>> -> memref<125xi32, #tpu.memory_space<vmem>>
        %dma_start3A_55 = arith.constant 0 : i32
        %dma_start3A_56 = arith.constant 0 : i32
        %dma_start3A_57 = tpu.memref_slice %arg11[%dma_start3A_55, %dma_start3A_56] : memref<10240x64xf32, #tpu.memory_space<vmem_shared>> -> memref<10240x64xf32, #tpu.memory_space<vmem_shared>>
        tpu.enqueue_indirect_dma source(%arg10 : memref<125x64xf32, #tpu.memory_space<vmem>>) target(%dma_start3A_57 : memref<10240x64xf32, #tpu.memory_space<vmem_shared>>) offsets(%dma_start3A_54 : memref<125xi32, #tpu.memory_space<vmem>>) semaphore(%run_scoped3A : memref<!tpu.dma_semaphore, #tpu.memory_space<semaphore_mem>>) {add = true}
        %dma_wait3A_58 = arith.constant 0 : i32
        %dma_wait3A_59 = tpu.memref_slice %arg8[%add3A_44, %dma_wait3A_58] : memref<160x125xi32, #tpu.memory_space<vmem>> -> memref<1x125xi32, #tpu.memory_space<vmem>>
        %dma_wait3A_60 = tpu.memref_squeeze %dma_wait3A_59 : memref<1x125xi32, #tpu.memory_space<vmem>> -> memref<125xi32, #tpu.memory_space<vmem>>
        %dma_wait3A_61 = arith.constant 0 : i32
        %dma_wait3A_62 = arith.constant 0 : i32
        %dma_wait3A_63 = tpu.memref_slice %arg11[%dma_wait3A_61, %dma_wait3A_62] : memref<10240x64xf32, #tpu.memory_space<vmem_shared>> -> memref<10240x64xf32, #tpu.memory_space<vmem_shared>>
        tpu.wait_indirect_dma semaphore(%run_scoped3A : memref<!tpu.dma_semaphore, #tpu.memory_space<semaphore_mem>>) src(%arg10 : memref<125x64xf32, #tpu.memory_space<vmem>>) dst(%dma_wait3A_63 : memref<10240x64xf32, #tpu.memory_space<vmem_shared>>)
        tpu.yield
      }) : () -> ()
      %add3A_45 = arith.constant 3 : i32
      %add3A_46 = arith.addi %mul3A_26, %add3A_45 : i32
      %lt3A_47 = arith.constant 160 : i32
      %lt3A_48 = arith.cmpi slt, %add3A_46, %lt3A_47 : i32
      %convert_element_type3A_49 = arith.extui %lt3A_48 : i1 to i32
      %cond3A_50 = arith.constant 0 : i32
      %cond3A_51 = arith.cmpi ne, %convert_element_type3A_49, %cond3A_50 : i32
      scf.if %cond3A_51 {
        %add3A_52 = arith.constant 3 : i32
        %add3A_53 = arith.addi %mul3A_26, %add3A_52 : i32
        %dma_start3A_54 = arith.constant 0 : i32
        %dma_start3A_55 = tpu.memref_slice %arg7[%add3A_53, %dma_start3A_54] : memref<160x125xi32, #tpu.memory_space<vmem>> -> memref<1x125xi32, #tpu.memory_space<vmem>>
        %dma_start3A_56 = tpu.memref_squeeze %dma_start3A_55 : memref<1x125xi32, #tpu.memory_space<vmem>> -> memref<125xi32, #tpu.memory_space<vmem>>
        %dma_start3A_57 = arith.constant 0 : i32
        %dma_start3A_58 = arith.constant 0 : i32
        %dma_start3A_59 = tpu.memref_slice %arg2[%dma_start3A_57, %dma_start3A_58] : memref<20480x64xf32, #tpu.memory_space<hbm>> -> memref<20480x64xf32, #tpu.memory_space<hbm>>
        tpu.enqueue_indirect_dma source(%dma_start3A_59 : memref<20480x64xf32, #tpu.memory_space<hbm>>) target(%arg10 : memref<125x64xf32, #tpu.memory_space<vmem>>) offsets(%dma_start3A_56 : memref<125xi32, #tpu.memory_space<vmem>>) semaphore(%arg13 : memref<!tpu.dma_semaphore, #tpu.memory_space<semaphore_mem>>)
      } else {
      }
    }
    %scan3A_18 = arith.constant 80 : i32
    %barrier3A_19 = arith.constant 0 : index
    tpu.barrier barrier_id(%barrier3A_19)
    %mul3A_20 = arith.constant 640 : i32
    %mul3A_21 = arith.muli %arg1, %mul3A_20 : i32
    %mul3A_22 = arith.constant 640 : i32
    %mul3A_23 = arith.muli %arg1, %mul3A_22 : i32
    "tpu.region"() ({
      %run_scoped3A = tpu.sem_alloc : memref<!tpu.dma_semaphore, #tpu.memory_space<semaphore_mem>>
      %dma_start3A_24 = arith.constant 0 : i32
      %dma_start3A_25 = tpu.memref_slice %arg6[%arg0, %mul3A_23, %dma_start3A_24] : memref<2x10240x64xf32, #tpu.memory_space<hbm>> -> memref<1x640x64xf32, #tpu.memory_space<hbm>>
      %dma_start3A_26 = tpu.memref_squeeze %dma_start3A_25 : memref<1x640x64xf32, #tpu.memory_space<hbm>> -> memref<640x64xf32, #tpu.memory_space<hbm>>
      %dma_start3A_27 = arith.constant 0 : i32
      %dma_start3A_28 = tpu.memref_slice %arg11[%mul3A_21, %dma_start3A_27] : memref<10240x64xf32, #tpu.memory_space<vmem_shared>> -> memref<640x64xf32, #tpu.memory_space<vmem_shared>>
      tpu.enqueue_dma source(%dma_start3A_28 : memref<640x64xf32, #tpu.memory_space<vmem_shared>>) target(%dma_start3A_26 : memref<640x64xf32, #tpu.memory_space<hbm>>) target_semaphore(%run_scoped3A : memref<!tpu.dma_semaphore, #tpu.memory_space<semaphore_mem>>)
      %dma_wait3A = arith.constant 0 : i32
      %dma_wait3A_29 = tpu.memref_slice %arg6[%arg0, %mul3A_23, %dma_wait3A] : memref<2x10240x64xf32, #tpu.memory_space<hbm>> -> memref<1x640x64xf32, #tpu.memory_space<hbm>>
      %dma_wait3A_30 = tpu.memref_squeeze %dma_wait3A_29 : memref<1x640x64xf32, #tpu.memory_space<hbm>> -> memref<640x64xf32, #tpu.memory_space<hbm>>
      %dma_wait3A_31 = arith.constant 0 : i32
      %dma_wait3A_32 = tpu.memref_slice %arg11[%mul3A_21, %dma_wait3A_31] : memref<10240x64xf32, #tpu.memory_space<vmem_shared>> -> memref<640x64xf32, #tpu.memory_space<vmem_shared>>
      tpu.wait_dma2 semaphore(%run_scoped3A : memref<!tpu.dma_semaphore, #tpu.memory_space<semaphore_mem>>) src(%dma_wait3A_32 : memref<640x64xf32, #tpu.memory_space<vmem_shared>>) dst(%dma_wait3A_30 : memref<640x64xf32, #tpu.memory_space<hbm>>)
      tpu.yield
    }) : () -> ()
    return
  }
}

module attributes {stable_mosaic.version = 14 : i64} {
  func.func @_dense_body(%arg0: i32, %arg1: memref<2x1024x64xf32, #tpu.memory_space<vmem>>, %arg2: memref<2x1024x16xf32, #tpu.memory_space<vmem>>, %arg3: memref<2x1024x64xf32, #tpu.memory_space<vmem>>, %arg4: memref<2x64x128xf32, #tpu.memory_space<vmem>>, %arg5: memref<2x64x128xf32, #tpu.memory_space<vmem>>, %arg6: memref<1x128xf32, #tpu.memory_space<vmem>>, %arg7: memref<2x1024x64xf32, #tpu.memory_space<vmem>>) attributes {dimension_semantics = [#tpu.dimension_semantics<arbitrary>], iteration_bounds = array<i64: 10>, scalar_prefetch = 0 : i64, scratch_operands = 0 : i64, tpu.core_type = #tpu.core_type<tc>, window_params = [{transform_indices = @transform_0, window_bounds = array<i64: 2, 1024, 64>}, {transform_indices = @transform_1, window_bounds = array<i64: 2, 1024, 16>}, {transform_indices = @transform_2, window_bounds = array<i64: 2, 1024, 64>}, {pipeline_mode = #tpu.pipeline_mode<synchronous>, transform_indices = @transform_3, window_bounds = array<i64: 2, 64, 128>}, {pipeline_mode = #tpu.pipeline_mode<synchronous>, transform_indices = @transform_4, window_bounds = array<i64: 2, 64, 128>}, {pipeline_mode = #tpu.pipeline_mode<synchronous>, transform_indices = @transform_5, window_bounds = array<i64: 1, 128>}, {transform_indices = @transform_6, window_bounds = array<i64: 2, 1024, 64>}]} {
    %get3A = arith.constant 0 : index
    %get3A_0 = arith.constant 0 : index
    %get3A_1 = arith.constant 0 : index
    %get3A_2 = vector.load %arg2[%get3A, %get3A_0, %get3A_1] : memref<2x1024x16xf32, #tpu.memory_space<vmem>>, vector<1x1024x1xf32>
    %get3A_3 = vector.shape_cast %get3A_2 : vector<1x1024x1xf32> to vector<1024x1xf32>
    %get3A_4 = arith.constant 1 : index
    %get3A_5 = arith.constant 0 : index
    %get3A_6 = arith.constant 0 : index
    %get3A_7 = vector.load %arg2[%get3A_4, %get3A_5, %get3A_6] : memref<2x1024x16xf32, #tpu.memory_space<vmem>>, vector<1x1024x1xf32>
    %get3A_8 = vector.shape_cast %get3A_7 : vector<1x1024x1xf32> to vector<1024x1xf32>
    %add3A = arith.addf %get3A_3, %get3A_8 : vector<1024x1xf32>
    %max3A = arith.constant 1.000000e+00 : f32
    %max3A_9 = vector.broadcast %max3A : f32 to vector<1024x1xf32>
    %max3A_10 = arith.maximumf %add3A, %max3A_9 : vector<1024x1xf32>
    %div3A = arith.constant 1.000000e+00 : f32
    %div3A_11 = vector.broadcast %div3A : f32 to vector<1024x1xf32>
    %div3A_12 = arith.divf %div3A_11, %max3A_10 : vector<1024x1xf32>
    %get3A_13 = arith.constant 0 : index
    %get3A_14 = arith.constant 0 : index
    %get3A_15 = arith.constant 0 : index
    %get3A_16 = vector.load %arg1[%get3A_13, %get3A_14, %get3A_15] : memref<2x1024x64xf32, #tpu.memory_space<vmem>>, vector<1x1024x64xf32>
    %get3A_17 = vector.shape_cast %get3A_16 : vector<1x1024x64xf32> to vector<1024x64xf32>
    %mul3A = vector.broadcast %div3A_12 : vector<1024x1xf32> to vector<1024x64xf32>
    %mul3A_18 = arith.mulf %get3A_17, %mul3A : vector<1024x64xf32>
    %get3A_19 = arith.constant 0 : index
    %get3A_20 = arith.constant 0 : index
    %get3A_21 = arith.constant 0 : index
    %get3A_22 = vector.load %arg4[%get3A_19, %get3A_20, %get3A_21] : memref<2x64x128xf32, #tpu.memory_space<vmem>>, vector<1x64x128xf32>
    %get3A_23 = vector.shape_cast %get3A_22 : vector<1x64x128xf32> to vector<64x128xf32>
    %dot_general3A = arith.constant dense<0.000000e+00> : vector<1024x128xf32>
    %dot_general3A_24 = tpu.matmul %mul3A_18, %get3A_23, %dot_general3A {dimension_numbers = #tpu.dot_dimension_numbers<[1], [0], [0], [1], [0, 0, 1, 1], [], []>, transpose_lhs_hint = false} : vector<1024x64xf32>, vector<64x128xf32>, vector<1024x128xf32> -> vector<1024x128xf32>
    %get3A_25 = arith.constant 1 : index
    %get3A_26 = arith.constant 0 : index
    %get3A_27 = arith.constant 0 : index
    %get3A_28 = vector.load %arg1[%get3A_25, %get3A_26, %get3A_27] : memref<2x1024x64xf32, #tpu.memory_space<vmem>>, vector<1x1024x64xf32>
    %get3A_29 = vector.shape_cast %get3A_28 : vector<1x1024x64xf32> to vector<1024x64xf32>
    %mul3A_30 = vector.broadcast %div3A_12 : vector<1024x1xf32> to vector<1024x64xf32>
    %mul3A_31 = arith.mulf %get3A_29, %mul3A_30 : vector<1024x64xf32>
    %get3A_32 = arith.constant 1 : index
    %get3A_33 = arith.constant 0 : index
    %get3A_34 = arith.constant 0 : index
    %get3A_35 = vector.load %arg4[%get3A_32, %get3A_33, %get3A_34] : memref<2x64x128xf32, #tpu.memory_space<vmem>>, vector<1x64x128xf32>
    %get3A_36 = vector.shape_cast %get3A_35 : vector<1x64x128xf32> to vector<64x128xf32>
    %dot_general3A_37 = arith.constant dense<0.000000e+00> : vector<1024x128xf32>
    %dot_general3A_38 = tpu.matmul %mul3A_31, %get3A_36, %dot_general3A_37 {dimension_numbers = #tpu.dot_dimension_numbers<[1], [0], [0], [1], [0, 0, 1, 1], [], []>, transpose_lhs_hint = false} : vector<1024x64xf32>, vector<64x128xf32>, vector<1024x128xf32> -> vector<1024x128xf32>
    %add3A_39 = arith.addf %dot_general3A_24, %dot_general3A_38 : vector<1024x128xf32>
    %get3A_40 = arith.constant 0 : index
    %get3A_41 = arith.constant 0 : index
    %get3A_42 = arith.constant 0 : index
    %get3A_43 = vector.load %arg3[%get3A_40, %get3A_41, %get3A_42] : memref<2x1024x64xf32, #tpu.memory_space<vmem>>, vector<1x1024x64xf32>
    %get3A_44 = vector.shape_cast %get3A_43 : vector<1x1024x64xf32> to vector<1024x64xf32>
    %get3A_45 = arith.constant 0 : index
    %get3A_46 = arith.constant 0 : index
    %get3A_47 = arith.constant 0 : index
    %get3A_48 = vector.load %arg5[%get3A_45, %get3A_46, %get3A_47] : memref<2x64x128xf32, #tpu.memory_space<vmem>>, vector<1x64x128xf32>
    %get3A_49 = vector.shape_cast %get3A_48 : vector<1x64x128xf32> to vector<64x128xf32>
    %dot_general3A_50 = arith.constant dense<0.000000e+00> : vector<1024x128xf32>
    %dot_general3A_51 = tpu.matmul %get3A_44, %get3A_49, %dot_general3A_50 {dimension_numbers = #tpu.dot_dimension_numbers<[1], [0], [0], [1], [0, 0, 1, 1], [], []>, transpose_lhs_hint = false} : vector<1024x64xf32>, vector<64x128xf32>, vector<1024x128xf32> -> vector<1024x128xf32>
    %add3A_52 = arith.addf %add3A_39, %dot_general3A_51 : vector<1024x128xf32>
    %get3A_53 = arith.constant 1 : index
    %get3A_54 = arith.constant 0 : index
    %get3A_55 = arith.constant 0 : index
    %get3A_56 = vector.load %arg3[%get3A_53, %get3A_54, %get3A_55] : memref<2x1024x64xf32, #tpu.memory_space<vmem>>, vector<1x1024x64xf32>
    %get3A_57 = vector.shape_cast %get3A_56 : vector<1x1024x64xf32> to vector<1024x64xf32>
    %get3A_58 = arith.constant 1 : index
    %get3A_59 = arith.constant 0 : index
    %get3A_60 = arith.constant 0 : index
    %get3A_61 = vector.load %arg5[%get3A_58, %get3A_59, %get3A_60] : memref<2x64x128xf32, #tpu.memory_space<vmem>>, vector<1x64x128xf32>
    %get3A_62 = vector.shape_cast %get3A_61 : vector<1x64x128xf32> to vector<64x128xf32>
    %dot_general3A_63 = arith.constant dense<0.000000e+00> : vector<1024x128xf32>
    %dot_general3A_64 = tpu.matmul %get3A_57, %get3A_62, %dot_general3A_63 {dimension_numbers = #tpu.dot_dimension_numbers<[1], [0], [0], [1], [0, 0, 1, 1], [], []>, transpose_lhs_hint = false} : vector<1024x64xf32>, vector<64x128xf32>, vector<1024x128xf32> -> vector<1024x128xf32>
    %add3A_65 = arith.addf %add3A_52, %dot_general3A_64 : vector<1024x128xf32>
    %get3A_66 = arith.constant 0 : index
    %get3A_67 = arith.constant 0 : index
    %get3A_68 = vector.load %arg6[%get3A_66, %get3A_67] : memref<1x128xf32, #tpu.memory_space<vmem>>, vector<1x128xf32>
    %add3A_69 = vector.broadcast %get3A_68 : vector<1x128xf32> to vector<1024x128xf32>
    %add3A_70 = arith.addf %add3A_65, %add3A_69 : vector<1024x128xf32>
    %max3A_71 = arith.constant 0.000000e+00 : f32
    %max3A_72 = vector.broadcast %max3A_71 : f32 to vector<1024x128xf32>
    %max3A_73 = arith.maximumf %add3A_70, %max3A_72 : vector<1024x128xf32>
    %slice3A = vector.extract_strided_slice %max3A_73 {offsets = [0, 0], sizes = [1024, 64], strides = [1, 1]} : vector<1024x128xf32> to vector<1024x64xf32>
    %swap3A = arith.constant 0 : index
    %swap3A_74 = arith.constant 0 : index
    %swap3A_75 = arith.constant 0 : index
    %swap3A_76 = vector.load %arg7[%swap3A, %swap3A_74, %swap3A_75] : memref<2x1024x64xf32, #tpu.memory_space<vmem>>, vector<1x1024x64xf32>
    %swap3A_77 = vector.shape_cast %swap3A_76 : vector<1x1024x64xf32> to vector<1024x64xf32>
    %swap3A_78 = vector.shape_cast %slice3A : vector<1024x64xf32> to vector<1x1024x64xf32>
    tpu.vector_store %arg7[%swap3A, %swap3A_74, %swap3A_75], %swap3A_78 {strides = array<i32>} : memref<2x1024x64xf32, #tpu.memory_space<vmem>>, vector<1x1024x64xf32>,
    %slice3A_79 = vector.extract_strided_slice %max3A_73 {offsets = [0, 64], sizes = [1024, 64], strides = [1, 1]} : vector<1024x128xf32> to vector<1024x64xf32>
    %swap3A_80 = arith.constant 1 : index
    %swap3A_81 = arith.constant 0 : index
    %swap3A_82 = arith.constant 0 : index
    %swap3A_83 = vector.load %arg7[%swap3A_80, %swap3A_81, %swap3A_82] : memref<2x1024x64xf32, #tpu.memory_space<vmem>>, vector<1x1024x64xf32>
    %swap3A_84 = vector.shape_cast %swap3A_83 : vector<1x1024x64xf32> to vector<1024x64xf32>
    %swap3A_85 = vector.shape_cast %slice3A_79 : vector<1024x64xf32> to vector<1x1024x64xf32>
    tpu.vector_store %arg7[%swap3A_80, %swap3A_81, %swap3A_82], %swap3A_85 {strides = array<i32>} : memref<2x1024x64xf32, #tpu.memory_space<vmem>>, vector<1x1024x64xf32>,
    return
  }
  func.func @transform_0(%arg0: i32) -> (i32, i32, i32) {
    %c0_i32 = arith.constant 0 : i32
    %c0_i32_0 = arith.constant 0 : i32
    %c0_i32_1 = arith.constant 0 : i32
    return %c0_i32, %arg0, %c0_i32_0 : i32, i32, i32
  }
  func.func @transform_1(%arg0: i32) -> (i32, i32, i32) {
    %c0_i32 = arith.constant 0 : i32
    %c0_i32_0 = arith.constant 0 : i32
    %c0_i32_1 = arith.constant 0 : i32
    return %c0_i32, %arg0, %c0_i32_0 : i32, i32, i32
  }
  func.func @transform_2(%arg0: i32) -> (i32, i32, i32) {
    %c0_i32 = arith.constant 0 : i32
    %c0_i32_0 = arith.constant 0 : i32
    %c0_i32_1 = arith.constant 0 : i32
    return %c0_i32, %arg0, %c0_i32_0 : i32, i32, i32
  }
  func.func @transform_3(%arg0: i32) -> (i32, i32, i32) {
    %c0_i32 = arith.constant 0 : i32
    %c0_i32_0 = arith.constant 0 : i32
    %c0_i32_1 = arith.constant 0 : i32
    %c0_i32_2 = arith.constant 0 : i32
    return %c0_i32, %c0_i32_0, %c0_i32_1 : i32, i32, i32
  }
  func.func @transform_4(%arg0: i32) -> (i32, i32, i32) {
    %c0_i32 = arith.constant 0 : i32
    %c0_i32_0 = arith.constant 0 : i32
    %c0_i32_1 = arith.constant 0 : i32
    %c0_i32_2 = arith.constant 0 : i32
    return %c0_i32, %c0_i32_0, %c0_i32_1 : i32, i32, i32
  }
  func.func @transform_5(%arg0: i32) -> (i32, i32) {
    %c0_i32 = arith.constant 0 : i32
    %c0_i32_0 = arith.constant 0 : i32
    %c0_i32_1 = arith.constant 0 : i32
    return %c0_i32, %c0_i32_0 : i32, i32
  }
  func.func @transform_6(%arg0: i32) -> (i32, i32, i32) {
    %c0_i32 = arith.constant 0 : i32
    %c0_i32_0 = arith.constant 0 : i32
    %c0_i32_1 = arith.constant 0 : i32
    return %c0_i32, %arg0, %c0_i32_0 : i32, i32, i32
  }
}

module attributes {stable_mosaic.version = 14 : i64} {
  func.func @_dense_body(%arg0: i32, %arg1: memref<2x1024x64xf32, #tpu.memory_space<vmem>>, %arg2: memref<2x1024x16xf32, #tpu.memory_space<vmem>>, %arg3: memref<2x1024x64xf32, #tpu.memory_space<vmem>>, %arg4: memref<2x64x128xf32, #tpu.memory_space<vmem>>, %arg5: memref<2x64x128xf32, #tpu.memory_space<vmem>>, %arg6: memref<1x128xf32, #tpu.memory_space<vmem>>, %arg7: memref<1024x128xf32, #tpu.memory_space<vmem>>) attributes {dimension_semantics = [#tpu.dimension_semantics<arbitrary>], iteration_bounds = array<i64: 10>, scalar_prefetch = 0 : i64, scratch_operands = 0 : i64, tpu.core_type = #tpu.core_type<tc>, window_params = [{transform_indices = @transform_0, window_bounds = array<i64: 2, 1024, 64>}, {transform_indices = @transform_1, window_bounds = array<i64: 2, 1024, 16>}, {transform_indices = @transform_2, window_bounds = array<i64: 2, 1024, 64>}, {pipeline_mode = #tpu.pipeline_mode<synchronous>, transform_indices = @transform_3, window_bounds = array<i64: 2, 64, 128>}, {pipeline_mode = #tpu.pipeline_mode<synchronous>, transform_indices = @transform_4, window_bounds = array<i64: 2, 64, 128>}, {pipeline_mode = #tpu.pipeline_mode<synchronous>, transform_indices = @transform_5, window_bounds = array<i64: 1, 128>}, {transform_indices = @transform_6, window_bounds = array<i64: 1024, 128>}]} {
    %get3A = arith.constant 0 : index
    %get3A_0 = arith.constant 0 : index
    %get3A_1 = arith.constant 0 : index
    %get3A_2 = vector.load %arg2[%get3A, %get3A_0, %get3A_1] : memref<2x1024x16xf32, #tpu.memory_space<vmem>>, vector<1x1024x1xf32>
    %get3A_3 = vector.shape_cast %get3A_2 : vector<1x1024x1xf32> to vector<1024x1xf32>
    %get3A_4 = arith.constant 1 : index
    %get3A_5 = arith.constant 0 : index
    %get3A_6 = arith.constant 0 : index
    %get3A_7 = vector.load %arg2[%get3A_4, %get3A_5, %get3A_6] : memref<2x1024x16xf32, #tpu.memory_space<vmem>>, vector<1x1024x1xf32>
    %get3A_8 = vector.shape_cast %get3A_7 : vector<1x1024x1xf32> to vector<1024x1xf32>
    %add3A = arith.addf %get3A_3, %get3A_8 : vector<1024x1xf32>
    %max3A = arith.constant 1.000000e+00 : f32
    %max3A_9 = vector.broadcast %max3A : f32 to vector<1024x1xf32>
    %max3A_10 = arith.maximumf %add3A, %max3A_9 : vector<1024x1xf32>
    %div3A = arith.constant 1.000000e+00 : f32
    %div3A_11 = vector.broadcast %div3A : f32 to vector<1024x1xf32>
    %div3A_12 = arith.divf %div3A_11, %max3A_10 : vector<1024x1xf32>
    %get3A_13 = arith.constant 0 : index
    %get3A_14 = arith.constant 0 : index
    %get3A_15 = arith.constant 0 : index
    %get3A_16 = vector.load %arg1[%get3A_13, %get3A_14, %get3A_15] : memref<2x1024x64xf32, #tpu.memory_space<vmem>>, vector<1x1024x64xf32>
    %get3A_17 = vector.shape_cast %get3A_16 : vector<1x1024x64xf32> to vector<1024x64xf32>
    %mul3A = vector.broadcast %div3A_12 : vector<1024x1xf32> to vector<1024x64xf32>
    %mul3A_18 = arith.mulf %get3A_17, %mul3A : vector<1024x64xf32>
    %get3A_19 = arith.constant 0 : index
    %get3A_20 = arith.constant 0 : index
    %get3A_21 = arith.constant 0 : index
    %get3A_22 = vector.load %arg4[%get3A_19, %get3A_20, %get3A_21] : memref<2x64x128xf32, #tpu.memory_space<vmem>>, vector<1x64x128xf32>
    %get3A_23 = vector.shape_cast %get3A_22 : vector<1x64x128xf32> to vector<64x128xf32>
    %dot_general3A = arith.constant dense<0.000000e+00> : vector<1024x128xf32>
    %dot_general3A_24 = tpu.matmul %mul3A_18, %get3A_23, %dot_general3A {dimension_numbers = #tpu.dot_dimension_numbers<[1], [0], [0], [1], [0, 0, 1, 1], [], []>, transpose_lhs_hint = false} : vector<1024x64xf32>, vector<64x128xf32>, vector<1024x128xf32> -> vector<1024x128xf32>
    %get3A_25 = arith.constant 1 : index
    %get3A_26 = arith.constant 0 : index
    %get3A_27 = arith.constant 0 : index
    %get3A_28 = vector.load %arg1[%get3A_25, %get3A_26, %get3A_27] : memref<2x1024x64xf32, #tpu.memory_space<vmem>>, vector<1x1024x64xf32>
    %get3A_29 = vector.shape_cast %get3A_28 : vector<1x1024x64xf32> to vector<1024x64xf32>
    %mul3A_30 = vector.broadcast %div3A_12 : vector<1024x1xf32> to vector<1024x64xf32>
    %mul3A_31 = arith.mulf %get3A_29, %mul3A_30 : vector<1024x64xf32>
    %get3A_32 = arith.constant 1 : index
    %get3A_33 = arith.constant 0 : index
    %get3A_34 = arith.constant 0 : index
    %get3A_35 = vector.load %arg4[%get3A_32, %get3A_33, %get3A_34] : memref<2x64x128xf32, #tpu.memory_space<vmem>>, vector<1x64x128xf32>
    %get3A_36 = vector.shape_cast %get3A_35 : vector<1x64x128xf32> to vector<64x128xf32>
    %dot_general3A_37 = arith.constant dense<0.000000e+00> : vector<1024x128xf32>
    %dot_general3A_38 = tpu.matmul %mul3A_31, %get3A_36, %dot_general3A_37 {dimension_numbers = #tpu.dot_dimension_numbers<[1], [0], [0], [1], [0, 0, 1, 1], [], []>, transpose_lhs_hint = false} : vector<1024x64xf32>, vector<64x128xf32>, vector<1024x128xf32> -> vector<1024x128xf32>
    %add3A_39 = arith.addf %dot_general3A_24, %dot_general3A_38 : vector<1024x128xf32>
    %get3A_40 = arith.constant 0 : index
    %get3A_41 = arith.constant 0 : index
    %get3A_42 = arith.constant 0 : index
    %get3A_43 = vector.load %arg3[%get3A_40, %get3A_41, %get3A_42] : memref<2x1024x64xf32, #tpu.memory_space<vmem>>, vector<1x1024x64xf32>
    %get3A_44 = vector.shape_cast %get3A_43 : vector<1x1024x64xf32> to vector<1024x64xf32>
    %get3A_45 = arith.constant 0 : index
    %get3A_46 = arith.constant 0 : index
    %get3A_47 = arith.constant 0 : index
    %get3A_48 = vector.load %arg5[%get3A_45, %get3A_46, %get3A_47] : memref<2x64x128xf32, #tpu.memory_space<vmem>>, vector<1x64x128xf32>
    %get3A_49 = vector.shape_cast %get3A_48 : vector<1x64x128xf32> to vector<64x128xf32>
    %dot_general3A_50 = arith.constant dense<0.000000e+00> : vector<1024x128xf32>
    %dot_general3A_51 = tpu.matmul %get3A_44, %get3A_49, %dot_general3A_50 {dimension_numbers = #tpu.dot_dimension_numbers<[1], [0], [0], [1], [0, 0, 1, 1], [], []>, transpose_lhs_hint = false} : vector<1024x64xf32>, vector<64x128xf32>, vector<1024x128xf32> -> vector<1024x128xf32>
    %add3A_52 = arith.addf %add3A_39, %dot_general3A_51 : vector<1024x128xf32>
    %get3A_53 = arith.constant 1 : index
    %get3A_54 = arith.constant 0 : index
    %get3A_55 = arith.constant 0 : index
    %get3A_56 = vector.load %arg3[%get3A_53, %get3A_54, %get3A_55] : memref<2x1024x64xf32, #tpu.memory_space<vmem>>, vector<1x1024x64xf32>
    %get3A_57 = vector.shape_cast %get3A_56 : vector<1x1024x64xf32> to vector<1024x64xf32>
    %get3A_58 = arith.constant 1 : index
    %get3A_59 = arith.constant 0 : index
    %get3A_60 = arith.constant 0 : index
    %get3A_61 = vector.load %arg5[%get3A_58, %get3A_59, %get3A_60] : memref<2x64x128xf32, #tpu.memory_space<vmem>>, vector<1x64x128xf32>
    %get3A_62 = vector.shape_cast %get3A_61 : vector<1x64x128xf32> to vector<64x128xf32>
    %dot_general3A_63 = arith.constant dense<0.000000e+00> : vector<1024x128xf32>
    %dot_general3A_64 = tpu.matmul %get3A_57, %get3A_62, %dot_general3A_63 {dimension_numbers = #tpu.dot_dimension_numbers<[1], [0], [0], [1], [0, 0, 1, 1], [], []>, transpose_lhs_hint = false} : vector<1024x64xf32>, vector<64x128xf32>, vector<1024x128xf32> -> vector<1024x128xf32>
    %add3A_65 = arith.addf %add3A_52, %dot_general3A_64 : vector<1024x128xf32>
    %get3A_66 = arith.constant 0 : index
    %get3A_67 = arith.constant 0 : index
    %get3A_68 = vector.load %arg6[%get3A_66, %get3A_67] : memref<1x128xf32, #tpu.memory_space<vmem>>, vector<1x128xf32>
    %add3A_69 = vector.broadcast %get3A_68 : vector<1x128xf32> to vector<1024x128xf32>
    %add3A_70 = arith.addf %add3A_65, %add3A_69 : vector<1024x128xf32>
    %reduce_max3A = arith.constant dense<0xFF800000> : vector<1024xf32>
    %reduce_max3A_71 = vector.multi_reduction <maximumf>, %add3A_70, %reduce_max3A [1] : vector<1024x128xf32> to vector<1024xf32>
    %broadcast_in_dim3A = vector.shape_cast %reduce_max3A_71 : vector<1024xf32> to vector<1024x1xf32>
    %sub3A = vector.broadcast %broadcast_in_dim3A : vector<1024x1xf32> to vector<1024x128xf32>
    %sub3A_72 = arith.subf %add3A_70, %sub3A : vector<1024x128xf32>
    %exp3A = math.exp %sub3A_72 : vector<1024x128xf32>
    %reduce_sum3A = arith.constant dense<0.000000e+00> : vector<1024xf32>
    %reduce_sum3A_73 = vector.multi_reduction <add>, %exp3A, %reduce_sum3A [1] : vector<1024x128xf32> to vector<1024xf32>
    %broadcast_in_dim3A_74 = vector.shape_cast %reduce_sum3A_73 : vector<1024xf32> to vector<1024x1xf32>
    %log3A = math.log %broadcast_in_dim3A_74 : vector<1024x1xf32>
    %sub3A_75 = vector.broadcast %log3A : vector<1024x1xf32> to vector<1024x128xf32>
    %sub3A_76 = arith.subf %sub3A_72, %sub3A_75 : vector<1024x128xf32>
    %swap3A = arith.constant 0 : index
    %swap3A_77 = arith.constant 0 : index
    %swap3A_78 = vector.load %arg7[%swap3A, %swap3A_77] : memref<1024x128xf32, #tpu.memory_space<vmem>>, vector<1024x128xf32>
    tpu.vector_store %arg7[%swap3A, %swap3A_77], %sub3A_76 {strides = array<i32>} : memref<1024x128xf32, #tpu.memory_space<vmem>>, vector<1024x128xf32>,
    return
  }
  func.func @transform_0(%arg0: i32) -> (i32, i32, i32) {
    %c0_i32 = arith.constant 0 : i32
    %c0_i32_0 = arith.constant 0 : i32
    %c0_i32_1 = arith.constant 0 : i32
    return %c0_i32, %arg0, %c0_i32_0 : i32, i32, i32
  }
  func.func @transform_1(%arg0: i32) -> (i32, i32, i32) {
    %c0_i32 = arith.constant 0 : i32
    %c0_i32_0 = arith.constant 0 : i32
    %c0_i32_1 = arith.constant 0 : i32
    return %c0_i32, %arg0, %c0_i32_0 : i32, i32, i32
  }
  func.func @transform_2(%arg0: i32) -> (i32, i32, i32) {
    %c0_i32 = arith.constant 0 : i32
    %c0_i32_0 = arith.constant 0 : i32
    %c0_i32_1 = arith.constant 0 : i32
    return %c0_i32, %arg0, %c0_i32_0 : i32, i32, i32
  }
  func.func @transform_3(%arg0: i32) -> (i32, i32, i32) {
    %c0_i32 = arith.constant 0 : i32
    %c0_i32_0 = arith.constant 0 : i32
    %c0_i32_1 = arith.constant 0 : i32
    %c0_i32_2 = arith.constant 0 : i32
    return %c0_i32, %c0_i32_0, %c0_i32_1 : i32, i32, i32
  }
  func.func @transform_4(%arg0: i32) -> (i32, i32, i32) {
    %c0_i32 = arith.constant 0 : i32
    %c0_i32_0 = arith.constant 0 : i32
    %c0_i32_1 = arith.constant 0 : i32
    %c0_i32_2 = arith.constant 0 : i32
    return %c0_i32, %c0_i32_0, %c0_i32_1 : i32, i32, i32
  }
  func.func @transform_5(%arg0: i32) -> (i32, i32) {
    %c0_i32 = arith.constant 0 : i32
    %c0_i32_0 = arith.constant 0 : i32
    %c0_i32_1 = arith.constant 0 : i32
    return %c0_i32, %c0_i32_0 : i32, i32
  }
  func.func @transform_6(%arg0: i32) -> (i32, i32) {
    %c0_i32 = arith.constant 0 : i32
    %c0_i32_0 = arith.constant 0 : i32
    return %arg0, %c0_i32 : i32, i32
  }
}

</mosaic_0001>

<sc_bundles>
// kernel: kernel.12.cloned.1.call-start
scs
__scs_entry_jumppad:
0x0: {  	(pc) =	sbr.rel $0x88, $3  }
0x1: {  	(tag) =	ssettag $0x0;
	lr =	simm.s32 $0x1  }
0x2: {  	[smem:$0x3F96] =	sst lr;
	_ =	strace $0xD0000000  }
0x3: {  	_ = 	snop  }
0x4: {  	_ = 	snop  }
0x5: {  	_ = 	snop  }
0x6: {  	_ = 	snop  }
0x7: {  	_ = 	snop  }
__scs_overlays_trampoline_lowered:
0x8: {  	[smem:$0x3FA5] =	sst s0  }
0x9: {  	[smem:$0x3FA6] =	sst s1  }
0xa: {  	[smem:$0x3FA7] =	sst s2  }
0xb: {  	[smem:$0x3FA8] =	sst s3  }
0xc: {  	[smem:$0x3FA9] =	sst s4  }
0xd: {  	[smem:$0x3FAA] =	sst s5  }
0xe: {  	[smem:$0x3FAB] =	sst s6  }
0xf: {  	[smem:$0x3FAC] =	sst s7  }
0x10: {  	[smem:$0x3FAD] =	sst s8  }
0x11: {  	[smem:$0x3FAE] =	sst s9;
	s0 =	simm.s32 @!p0 $0x0  }
0x12: {  	s1 =	sld [smem:$0x3F94];
	s0 =	simm.s32 @p0 $0x1  }
0x13: {  	[smem:$0x3FAF] =	sst s0;
	s0 =	simm.s32 @!p1 $0x0  }
0x14: {  	s2 =	sld [smem:$0x3F93];
	s0 =	simm.s32 @p1 $0x1  }
0x15: {  	[smem:$0x3FB0] =	sst s0;
	s0 =	simm.s32 @!p2 $0x0  }
0x16: {  	s3 =	sld [smem:$0x3FDB];
	s0 =	simm.s32 @p2 $0x1  }
0x17: {  	s4 =	simm.s32 $0x1BF5;
	[smem:$0x3FB2] =	sst s0  }
0x18: {  	s0 =	sld [smem:$0x3F95];
	_ =	swait.ge [sflag:s4], $0x0  }
0x19: {  	s7 =	sld [smem:$0x3F96]  }
0x1a: {  	s8 =	sadd.s32 $0xFFFFE003, lr  }
0x1b: {  	s9 =	sadd.s32 $0xFFFFFEF7, lr;
	s5 =	simm.s32 $0xFFFFFFFF;
	p2 =	slt.u32 s8, $0xFFFFF086  }
0x1c: {  	p1 =	slt.u32 s9, $0xF7A;
	s5 =	simm.s32 @!p2 $0x0  }
0x1d: {  	s5 =	simm.s32 @p1 $0x1;
	p0 =	seq.s32 s7, s2  }
0x1e: {  	s7 =	smul.u32 @!p0 $0xF7A, s2;
	p2 =	seq.s32 @!p0 s5, $0x0  }
0x1f: {  	s9 =	smul.u32 $0xF7A, s1;
	s8 =	simm.s32 @!p0 $0x1BF5;
	p2 =	por !p2, p0  }
0x20: {  	[sflag:s8] =	ssyncset.s32 @!p0 $0xFFFFF086;
	s6 =	sadd.s32 @!p0 s3, s7;
	s7 =	simm.s32 @!p0 $0x108  }
0x21: {  	s3 =	sadd.s32 s3, s9;
	s6 =	sadd.s32 @!p0 $0x88, s6;
	s7 =	simm.s32 @p2 $0x1082  }
0x22: {  	[simem:s7], [sflag:s8] =	dma.local @!p0 [hbm:s6], $0xF7A  }
0x23: {  	s9 =	sor.u32 $0xD0000000, s2;
	s6 =	simm.s32 $0x108;
	_ =	swait.ge @!p0 [sflag:s8], $0x0  }
0x24: {  	s3 =	sadd.s32 $0x88, s3;
	s6 =	simm.s32 @!p1 $0x1082;
	[sflag:s4] =	ssyncset.s32 $0xFFFFF086  }
0x25: {  	[simem:s6], [sflag:s4] =	dma.local [hbm:s3], $0xF7A  }
0x26: {  	[smem:$0x3F96] =	sst s1;
	(tag) =	ssettag s2;
	_ =	strace s9  }
0x27: {  	s1 =	sld [smem:$0x3FA6]  }
0x28: {  	s2 =	sld [smem:$0x3FA7]  }
0x29: {  	s4 =	sld [smem:$0x3FA9]  }
0x2a: {  	p0 =	seq.s32 s5, $0x0;
	s5 =	sld [smem:$0x3FAA]  }
0x2b: {  	s6 =	sld [smem:$0x3FAB]  }
0x2c: {  	s7 =	sld [smem:$0x3FAC]  }
0x2d: {  	s3 =	simm.s32 $0x108;
	s8 =	sld [smem:$0x3FAD]  }
0x2e: {  	s3 =	simm.s32 @!p0 $0x1082;
	s9 =	sld [smem:$0x3FAE]  }
0x2f: {  	lr =	sadd.s32 s0, s3;
	s0 =	sld [smem:$0x3FA5]  }
0x30: {  	s3 =	sld [smem:$0x3FA8]  }
0x31: {  	[smem:$0x3FB1] =	sst s10  }
0x32: {  	s10 =	sld [smem:$0x3FAF];
	_ =	sdelay $0x3  }
0x33: {  	p0 =	seq.s32 s10, $0x1;
	s10 =	sld [smem:$0x3FB1];
	_ =	sdelay $0x3  }
0x34: {  	[smem:$0x3FB1] =	sst s10  }
0x35: {  	s10 =	sld [smem:$0x3FB0];
	_ =	sdelay $0x3  }
0x36: {  	p1 =	seq.s32 s10, $0x1;
	s10 =	sld [smem:$0x3FB1];
	_ =	sdelay $0x3  }
0x37: {  	[smem:$0x3FB1] =	sst s10  }
0x38: {  	s10 =	sld [smem:$0x3FB2]  }
0x39: {  	_ = 	snop;
	(pc) =	sbr.ind lr, $3  }
0x3a: {  	_ = 	snop  }
0x3b: {  	_ = 	snop  }
0x3c: {  	p2 =	seq.s32 s10, $0x1;
	s10 =	sld [smem:$0x3FB1]  }
0x3d: {  	_ =	shalt  }
0x3e: {  	_ =	shalt  }
0x3f: {  	_ =	shalt  }
0x40: {  	_ =	shalt  }
0x41: {  	_ =	shalt  }
0x42: {  	_ =	shalt  }
0x43: {  	_ =	shalt  }
0x44: {  	_ =	shalt  }
0x45: {  	_ =	shalt  }
0x46: {  	_ =	shalt  }
0x47: {  	_ =	shalt  }
0x48: {  	_ =	shalt  }
0x49: {  	_ =	shalt  }
0x4a: {  	_ =	shalt  }
0x4b: {  	_ =	shalt  }
0x4c: {  	_ =	shalt  }
0x4d: {  	_ =	shalt  }
0x4e: {  	_ =	shalt  }
0x4f: {  	_ =	shalt  }
0x50: {  	_ =	shalt  }
0x51: {  	_ =	shalt  }
0x52: {  	_ =	shalt  }
0x53: {  	_ =	shalt  }
0x54: {  	_ =	shalt  }
0x55: {  	_ =	shalt  }
0x56: {  	_ =	shalt  }
0x57: {  	_ =	shalt  }
0x58: {  	_ =	shalt  }
0x59: {  	_ =	shalt  }
0x5a: {  	_ =	shalt  }
0x5b: {  	_ =	shalt  }
0x5c: {  	_ =	shalt  }
0x5d: {  	_ =	shalt  }
0x5e: {  	_ =	shalt  }
0x5f: {  	_ =	shalt  }
0x60: {  	_ =	shalt  }
0x61: {  	_ =	shalt  }
0x62: {  	_ =	shalt  }
0x63: {  	_ =	shalt  }
0x64: {  	_ =	shalt  }
0x65: {  	_ =	shalt  }
0x66: {  	_ =	shalt  }
0x67: {  	_ =	shalt  }
0x68: {  	_ =	shalt  }
0x69: {  	_ =	shalt  }
0x6a: {  	_ =	shalt  }
0x6b: {  	_ =	shalt  }
0x6c: {  	_ =	shalt  }
0x6d: {  	_ =	shalt  }
0x6e: {  	_ =	shalt  }
0x6f: {  	_ =	shalt  }
0x70: {  	_ =	shalt  }
0x71: {  	_ =	shalt  }
0x72: {  	_ =	shalt  }
0x73: {  	_ =	shalt  }
0x74: {  	_ =	shalt  }
0x75: {  	_ =	shalt  }
0x76: {  	_ =	shalt  }
0x77: {  	_ =	shalt  }
0x78: {  	_ =	shalt  }
0x79: {  	_ =	shalt  }
0x7a: {  	_ =	shalt  }
0x7b: {  	_ =	shalt  }
0x7c: {  	_ =	shalt  }
0x7d: {  	_ =	shalt  }
0x7e: {  	_ =	shalt  }
0x7f: {  	_ =	shalt  }
0x80: {  	_ =	shalt  }
0x81: {  	_ =	shalt  }
0x82: {  	_ =	shalt  }
0x83: {  	_ =	shalt  }
0x84: {  	_ =	shalt  }
0x85: {  	_ =	shalt  }
0x86: {  	_ =	shalt  }
0x87: {  	_ =	shalt  }
.Lfunc_end0:
.L_simem_size_0:
called_computation.1_lowered:
.L_overlay_start_0:
0x88: {  	s2 =	sld [smem:$0x3FD9]  }
0x89: {  	s3 =	sld [smem:$0x3FFE];
	_ =	sdelay $0x1  }
0x8a: {  	s1 =	srdreg.scid  }
0x8b: {  	s0 =	sand.u32 $0x1, s1  }
0x8c: {  	s17 =	sshll.u32 s0, $0xA;
	s2 =	sadd.s32 s3, s2  }
0x8d: {  	s2 =	sadd.s32 s2, s17  }
0x8e: {  	[smem:$0x3FBD] =	sst s2  }
0x8f: {  	_ = 	snop  }
0x90: {  	s18 =	sld [smem:$0x3FD0];
	(tm) =	ssettm $0x1  }
0x91: {  	s19 =	sld [smem:$0x3FFB];
	_ =	sdelay $0x3  }
0x92: {  	_ =	strace s19  }
0x93: {  	s2 =	sld [smem:$0x3FFC];
	_ =	sdelay $0x3  }
0x94: {  	_ =	strace s2  }
0x95: {  	s2 =	sld [smem:$0x3FFD];
	_ =	sdelay $0x3  }
0x96: {  	_ =	strace s2  }
0x97: {  	_ =	strace $0x8FFFFFFF  }
0x98: {  	s20 =	sld [smem:$0x3FDB];
	_ =	sdelay $0x1  }
0x99: {  	s4 =	simm.s32 $_scs_section_size  }
0x9a: {  	s5 =	simm.s32 $_size__tile_overlayer_lowered;
	s6 =	simm.s32 $_tile_overlayer_lowered  }
0x9b: {  	s7 =	simm.s32 $0x1BFF;
	s21 =	sshll.u32 s6, $0x1;
	s4 =	sadd.s32 s4, s20  }
0x9c: {  	s22 =	simm.s32 $0x0;
	s5 =	sshll.u32 s5, $0x1;
	s6 =	sadd.s32 s21, s4  }
0x9d: {  	[timem:s22], [sflag:s7] =	dma.local [hbm:s6], s5  }
0x9e: {  	_ =	swait.ge [sflag:s7], s5  }
0x9f: {  	s5 =	ssub.s32 $0x0, s5;
	[sflag:s7] =	ssyncset.done $0x0  }
0xa0: {  	[sflag:s7] =	ssyncadd.s32 s5;
	_ =	sdelay $0x1  }
0xa1: {  	s23 =	simm.s32 $0x1B8B  }
0xa2: {  	_ =	swait.ge [sflag:s23], $0x1  }
0xa3: {  	[sflag:s23] =	ssyncset.done $0x0  }
0xa4: {  	[sflag:s23] =	ssyncadd.s32 $0xFFFFFFFF  }
0xa5: {  	s5 =	sld [smem:$0x0]  }
0xa6: {  	s6 =	sand.u32 $0xFFFFFFFE, s1  }
0xa7: {  	p0 =	sne.s32 s1, s6  }
0xa8: {  	s6 =	sshll.u32 @p0 s6, $0xE  }
0xa9: {  	s6 =	sadd.s32 @p0 $0x11B8D, s6;
	s7 =	sshll.u32 @p0 s5, $0x11  }
0xaa: {  	s6 =	sor.u32 @p0 s7, s6  }
0xab: {  	[sflag:s6] =	ssyncadd.remote.s32 @p0 $0x1;
	_ =	sdelay $0x1  }
0xac: {  	s6 =	simm.s32 @p0 $0x1B8D  }
0xad: {  	_ =	swait.eq @p0 [sflag:s6], $0x1  }
0xae: {  	[sflag:s6] =	ssyncadd.s32 @p0 $0xFFFFFFFF  }
0xaf: {  	s7 =	sshll.u32 @!p0 s1, $0xE  }
0xb0: {  	s7 =	sor.u32 @!p0 $0x4000, s7;
	s6 =	simm.s32 @!p0 $0x1B8D  }
0xb1: {  	s5 =	sshll.u32 @!p0 s5, $0x11;
	s7 =	sadd.s32 @!p0 $0x11B8D, s7;
	_ =	swait.eq @!p0 [sflag:s6], $0x1  }
0xb2: {  	s5 =	sor.u32 @!p0 s5, s7;
	[sflag:s6] =	ssyncadd.s32 @!p0 $0xFFFFFFFF  }
0xb3: {  	s25 =	simm.s32 $0x1B8E;
	s24 =	sld [smem:$0x3FFE];
	[sflag:s5] =	ssyncadd.remote.s32 @!p0 $0x1  }
0xb4: {  	s26 =	simm.s32 $execute0_lowered;
	[smem:$0x3FD2] =	sst s25  }
0xb5: {  	s6 =	sshll.u32 s26, $0x1;
	_ =	strace $0x80000049;
	[dreg:$0x1] =	wrdreg $0xFFFFFFFF  }
0xb6: {  	s28 =	simm.s32 $_size_execute0_lowered;
	s4 =	sadd.s32 s4, s6;
	[dreg:$0x0] =	wrdreg $0x0  }
0xb7: {  	s6 =	sshll.u32 s28, $0x1;
	[dreg:$0x2] =	wrdreg s4  }
0xb8: {  	[dreg:$0x3] =	wrdreg s6  }
0xb9: {  	[dreg:$0x4] =	wrdreg $0xC0  }
0xba: {  	_ =	task [dreg:s22], $0x5FFFF  }
0xbb: {  	[dreg:$0x1] =	wrdreg $0xFFFFFFFF  }
0xbc: {  	[dreg:$0x0] =	wrdreg $0x60  }
0xbd: {  	[dreg:$0x2] =	wrdreg s24  }
0xbe: {  	[dreg:$0x3] =	wrdreg s18  }
0xbf: {  	[dreg:$0x4] =	wrdreg $0xDE800  }
0xc0: {  	[dreg:$0x5] =	wrdreg $0xA  }
0xc1: {  	_ =	task.clear_ibuf [dreg:s22], $0x6FFFF;
	_ =	strace $0x90000049  }
0xc2: {  	s29 =	simm.s32 $0xA;
	_ =	strace $0x8000004B  }
0xc3: {  	_ =	swait.ge [sflag:s29], $0x1  }
0xc4: {  	[sflag:s29] =	ssyncadd.s32 $0xFFFFFFFF  }
0xc5: {  	_ =	strace $0x9000004B  }
0xc6: {  	_ =	sfence  }
0xc7: {  	s30 =	sld [smem:$0x0];
	_ =	sdelay $0x2  }
0xc8: {  	s31 =	sshll.u32 s1, $0xD;
	s1 =	sshrl.u32 s1, $0x2  }
0xc9: {  	s4 =	sand.u32 $0x4000, s31;
	s1 =	sadd.s32 s1, s30  }
0xca: {  	s0 =	sor.u32 s4, s0;
	s1 =	sshll.u32 s1, $0x11  }
0xcb: {  	s0 =	sor.u32 s1, s0  }
0xcc: {  	s0 =	sadd.s32 $0x8F2B, s0  }
0xcd: {  	[sflag:s0] =	ssyncadd.remote.s32 $0x1  }
0xce: {  	_ =	sfence.sel $0xFFFF  }
0xcf: {  	[dreg:$0x0] =	wrdreg $0xFFFFFFFF;
	(pc) =	sbr.abs _section_cstart, $3  }
0xd0: {  	[dreg:$0x1] =	wrdreg $0xFFFFFFFF  }
0xd1: {  	_ =	task.clear_ibuf [dreg:s22], $0x2FFFF;
	_ =	strace $0x9FFFFFFF  }
0xd2: {  	(tm) =	ssettm $0x7FFFFFFF  }
0xd3: {  	_ =	shalt  }
tec
execute0_lowered:
.L_overlay_start_1:
0x0: {  	(tag) =	ssettag $0x1  }
0x1: {  	s6 =	rddreg [dreg:$0x0]  }
0x2: {  	s7 =	rddreg [dreg:$0x1]  }
0x3: {  	s2 =	rddreg [dreg:$0x2]  }
0x4: {  	s0 =	rddreg [dreg:$0x3]  }
0x5: {  	s1 =	stileid.u32;
	s4 =	srdreg.scid  }
0x6: {  	s3 =	simm.s32 $0x0;
	s15 =	simm.s32 $0xA000;
	s16 =	simm.s32 $0x80  }
0x7: {  	s17 =	simm.s32 $0xBF40;
	s18 =	simm.s32 $0x1;
	s19 =	simm.s32 $0x2  }
0x8: {  	s20 =	simm.s32 $0x9F00;
	s21 =	simm.s32 $0x9F80;
	s8 =	smul.u32 $0x5000, s1  }
0x9: {  	s22 =	simm.s32 $0x0;
	s9 =	sand.u32 $0x1, s4;
	s10 =	smul.u32 $0xA000, s1  }
0xa: {  	[smem:$0x7FF] =	sst s3;
	s4 =	sadd.s32 $0x72200, s6;
	s5 =	smul.u32 $0xA0000, s9  }
0xb: {  	s31 =	sshll.u32 s1, $0x6;
	s13 =	smul.u32 $0x50000, s9;
	s9 =	ssub.s32 $0x2, s9  }
0xc: {  	_ =	strace $0x8000004A;
	s11 =	sshrl.u32 s8, $0x3;
	s29 =	sshrl.u32 s9, $0x1  }
0xd: {  	s14 =	sadd.s32 s10, s2;
	s11 =	sadd.s32 s11, s6;
	s12 =	sadd.s32 s10, s5  }
0xe: {  	s5 =	sadd.s32 $0x9A200, s6;
	s8 =	sadd.s32 s8, s13;
	s30 =	ssub.s32 s9, s29  }
0xf: {  	s13 =	simm.s32 $0x5000;
	s12 =	sshrl.u32 s12, $0x3;
	s8 =	sshrl.u32 s8, $0x3  }
0x10: {  	s10 =	smax.u32 s30, $0x1;
	s12 =	sadd.s32 s12, s6;
	s6 =	sor.u32 $0x1C03, s31  }
0x11: {  	s7 =	sadd.s32 s7, s8;
	s8 =	sadd.s32 $0x18200, s11;
	s11 =	sshrl.u32 s14, $0x3  }
0x12: {  	s14 =	simm.s32 $0x7D;
	s9 =	sadd.s32 $0x9B600, s12;
	s12 =	simm.s32 $0x3  }
.LBB2_1:
0x13: {  	[spmem:s11], [sflag:s6] =	dma.local [hbm:s5], $0x1400  }
0x14: {  	_ =	swait.ge [sflag:s12], $0x1400  }
0x15: {  	[sflag:s12] =	ssyncset.done $0x0  }
0x16: {  	[sflag:s12] =	ssyncadd.s32 $0xFFFFEC00  }
0x17: {  	[tilespmem:s3], [sflag:$0x3] =	stream.linear.gather [hbm4b:s7+s3], $0x5000, $0x38;
	[tilespmem:$0x17E80] =	vst v63  }
0x18: {  	_ =	swait.ge [sflag:s12], $0x5000  }
0x19: {  	[sflag:s12] =	ssyncset.done $0x0  }
0x1a: {  	[sflag:s12] =	ssyncadd.s32 $0xFFFFB000  }
0x1b: {  	[tilespmem:s13], [sflag:$0x3] =	stream.linear.gather [hbm4b:s8+s3], $0x5000, $0x38;
	[tilespmem:$0x17E80] =	vst v63  }
0x1c: {  	_ =	swait.ge [sflag:s12], $0x5000  }
0x1d: {  	[sflag:s12] =	ssyncset.done $0x0  }
0x1e: {  	[sflag:s12] =	ssyncadd.s32 $0xFFFFB000  }
0x1f: {  	[bflag:$0x0] =	sbarrier.arrive $0xFFFF  }
0x20: {  	[tilespmem:s15], [sflag:$0x1] =	stream.indirect.gather [hbm4b:s4+s14], $0x40, s3, s14, $0xb8;
	[tilespmem:$0x17E80] =	vst v63  }
0x21: {  	_ = 	snop  }
0x22: {  	[tilespmem:s17], [sflag:$0x2] =	stream.indirect.gather [hbm4b:s4+s14], $0x40, s16, s14, $0xb8;
	[tilespmem:$0x17E80] =	vst v63  }
0x23: {  	_ =	swait.ge [sflag:s18], $0x1F40  }
0x24: {  	[sflag:s18] =	ssyncset.done $0x0  }
0x25: {  	s23 =	simm.s32 $0x5000;
	[sflag:s18] =	ssyncadd.s32 $0xFFFFE0C0  }
0x26: {  	[spmem:s2] =	stream.indirect.scatter.add.f32 [tilespmem:s15], [sflag:$0x3], $0x40, s23, s14, $0xb8;
	[tilespmem:$0x17E80] =	vst v63  }
0x27: {  	_ =	swait.ge [sflag:s12], $0x1F40  }
0x28: {  	[sflag:s12] =	ssyncset.done $0x0  }
0x29: {  	s30 =	simm.s32 $0x100;
	[sflag:s12] =	ssyncadd.s32 $0xFFFFE0C0  }
0x2a: {  	[tilespmem:s15], [sflag:$0x1] =	stream.indirect.gather [hbm4b:s4+s14], $0x40, s30, s14, $0xb8;
	[tilespmem:$0x17E80] =	vst v63  }
0x2b: {  	_ =	swait.ge [sflag:s19], $0x1F40  }
0x2c: {  	[sflag:s19] =	ssyncset.done $0x0  }
0x2d: {  	s31 =	simm.s32 $0x5080;
	[sflag:s19] =	ssyncadd.s32 $0xFFFFE0C0  }
0x2e: {  	[spmem:s2] =	stream.indirect.scatter.add.f32 [tilespmem:s17], [sflag:$0x3], $0x40, s31, s14, $0xb8;
	[tilespmem:$0x17E80] =	vst v63  }
0x2f: {  	_ =	swait.ge [sflag:s12], $0x1F40  }
0x30: {  	[sflag:s12] =	ssyncset.done $0x0  }
0x31: {  	s24 =	simm.s32 $0x180;
	s23 =	simm.s32 $0x400;
	[sflag:s12] =	ssyncadd.s32 $0xFFFFE0C0  }
.LBB2_2:
0x32: {  	[tilespmem:s17], [sflag:$0x2] =	stream.indirect.gather [hbm4b:s4+s14], $0x40, s24, s14, $0xb8;
	[tilespmem:$0x17E80] =	vst v63  }
0x33: {  	s24 =	smov.u32 s23  }
0x34: {  	p0 =	sne.s32 s23, $0x13800;
	s23 =	sadd.s32 $0x400, s23;
	_ =	swait.ge [sflag:s18], $0x1F40  }
0x35: {  	s24 =	sshra.s32 s24, $0x2;
	[sflag:s18] =	ssyncset.done $0x0  }
0x36: {  	s25 =	sadd.s32 $0x5000, s24;
	[sflag:s18] =	ssyncadd.s32 $0xFFFFE0C0  }
0x37: {  	[spmem:s2] =	stream.indirect.scatter.add.f32 [tilespmem:s15], [sflag:$0x3], $0x40, s25, s14, $0xb8;
	[tilespmem:$0x17E80] =	vst v63  }
0x38: {  	_ =	swait.ge [sflag:s12], $0x1F40  }
0x39: {  	[sflag:s12] =	ssyncset.done $0x0  }
0x3a: {  	s25 =	sadd.s32 $0x100, s24;
	[sflag:s12] =	ssyncadd.s32 $0xFFFFE0C0  }
0x3b: {  	[tilespmem:s15], [sflag:$0x1] =	stream.indirect.gather [hbm4b:s4+s14], $0x40, s25, s14, $0xb8;
	[tilespmem:$0x17E80] =	vst v63  }
0x3c: {  	_ =	swait.ge [sflag:s19], $0x1F40  }
0x3d: {  	[sflag:s19] =	ssyncset.done $0x0  }
.Ltmp0:
0x3e: {  	s25 =	sadd.s32 $0x5080, s24;
	[sflag:s19] =	ssyncadd.s32 $0xFFFFE0C0;
	(pc) =	sbr.rel @p0 .LBB2_2-.Ltmp0, $4  }
0x3f: {  	[spmem:s2] =	stream.indirect.scatter.add.f32 [tilespmem:s17], [sflag:$0x3], $0x40, s25, s14, $0xb8;
	[tilespmem:$0x17E80] =	vst v63  }
0x40: {  	_ =	swait.ge [sflag:s12], $0x1F40  }
0x41: {  	[sflag:s12] =	ssyncset.done $0x0  }
0x42: {  	s24 =	sadd.s32 $0x180, s24;
	[sflag:s12] =	ssyncadd.s32 $0xFFFFE0C0  }
0x43: {  	[tilespmem:s17], [sflag:$0x2] =	stream.indirect.gather [hbm4b:s4+s14], $0x40, s24, s14, $0xb8;
	[tilespmem:$0x17E80] =	vst v63  }
0x44: {  	_ =	swait.ge [sflag:s18], $0x1F40  }
0x45: {  	[sflag:s18] =	ssyncset.done $0x0  }
0x46: {  	[sflag:s18] =	ssyncadd.s32 $0xFFFFE0C0  }
0x47: {  	[spmem:s2] =	stream.indirect.scatter.add.f32 [tilespmem:s15], [sflag:$0x3], $0x40, s20, s14, $0xb8;
	[tilespmem:$0x17E80] =	vst v63  }
0x48: {  	_ =	swait.ge [sflag:s12], $0x1F40  }
0x49: {  	[sflag:s12] =	ssyncset.done $0x0  }
0x4a: {  	[sflag:s12] =	ssyncadd.s32 $0xFFFFE0C0  }
0x4b: {  	_ =	swait.ge [sflag:s19], $0x1F40  }
0x4c: {  	[sflag:s19] =	ssyncset.done $0x0  }
0x4d: {  	[sflag:s19] =	ssyncadd.s32 $0xFFFFE0C0  }
0x4e: {  	[spmem:s2] =	stream.indirect.scatter.add.f32 [tilespmem:s17], [sflag:$0x3], $0x40, s21, s14, $0xb8;
	[tilespmem:$0x17E80] =	vst v63  }
0x4f: {  	_ =	swait.ge [sflag:s12], $0x1F40  }
0x50: {  	s22 =	sadd.s32 $0x1, s22;
	[sflag:s12] =	ssyncset.done $0x0  }
0x51: {  	p0 =	sne.s32 s22, s10;
	[sflag:s12] =	ssyncadd.s32 $0xFFFFE0C0  }
.Ltmp1:
0x52: {  	[bflag:$0x0] =	sbarrier.arrive $0xFFFF;
	(pc) =	sbr.rel @p0 .LBB2_1-.Ltmp1, $4  }
0x53: {  	[hbm:s9], [sflag:s6] =	dma.local [spmem:s11], $0x1400  }
0x54: {  	_ =	swait.ge [sflag:s12], $0x1400  }
0x55: {  	[sflag:s12] =	ssyncset.done $0x0  }
0x56: {  	[sflag:s12] =	ssyncadd.s32 $0xFFFFEC00  }
0x57: {  	_ =	sfence.sel $0x180000  }
0x58: {  	[bflag:$0x0] =	sbarrier.arrive $0xFFFF  }
0x59: {  	p0 =	sne.s32 s1, $0x0;
	_ =	strace $0x9000004A  }
0x5a: {  	s0 =	sadd.s32 @!p0 $0x100000, s0;
	[bflag:$0x2] =	sbarrier.arrive $0xFFFF  }
0x5b: {  	[sflag:s0] =	ssyncadd.tile.s32 @!p0 $0x1;
	_ =	shalt  }
.Lfunc_end2:
_tile_overlayer_lowered:
.L_overlay_start_2:
0x5c: {  	(tag) =	ssettag $0x2  }
0x5d: {  	s0 =	rddreg [dreg:$0x0];
	s2 =	stileid.u32  }
0x5e: {  	s1 =	rddreg [dreg:$0x1];
	p0 =	sne.s32 s2, $0x0  }
0x5f: {  	s3 =	rddreg [dreg:$0x2];
	[bflag:$0x3] =	sbarrier.arrive $0xFFFF;
	s2 =	simm.s32 @!p0 $0x1C03  }
0x60: {  	[timem:s3], [sflag:s2] =	dma.local @!p0 [hbm:s0], s1  }
0x61: {  	s0 =	simm.s32 @!p0 $0x3  }
0x62: {  	_ =	swait.ge @!p0 [sflag:s0], s1  }
0x63: {  	s1 =	ssub.s32 @!p0 $0x0, s1;
	[sflag:s0] =	ssyncset.done @!p0 $0x0  }
0x64: {  	[sflag:s0] =	ssyncadd.s32 @!p0 s1  }
0x65: {  	[bflag:$0x3] =	sbarrier.arrive $0xFFFF  }
0x66: {  	_ =	shalt  }

// kernel: kernel.15.cloned.1.call-start
scs
__scs_entry_jumppad:
0x0: {  	(pc) =	sbr.rel $0x88, $3  }
0x1: {  	(tag) =	ssettag $0x0;
	lr =	simm.s32 $0x1  }
0x2: {  	[smem:$0x3F96] =	sst lr;
	_ =	strace $0xD0000000  }
0x3: {  	_ = 	snop  }
0x4: {  	_ = 	snop  }
0x5: {  	_ = 	snop  }
0x6: {  	_ = 	snop  }
0x7: {  	_ = 	snop  }
__scs_overlays_trampoline_lowered:
0x8: {  	[smem:$0x3FA5] =	sst s0  }
0x9: {  	[smem:$0x3FA6] =	sst s1  }
0xa: {  	[smem:$0x3FA7] =	sst s2  }
0xb: {  	[smem:$0x3FA8] =	sst s3  }
0xc: {  	[smem:$0x3FA9] =	sst s4  }
0xd: {  	[smem:$0x3FAA] =	sst s5  }
0xe: {  	[smem:$0x3FAB] =	sst s6  }
0xf: {  	[smem:$0x3FAC] =	sst s7  }
0x10: {  	[smem:$0x3FAD] =	sst s8  }
0x11: {  	[smem:$0x3FAE] =	sst s9;
	s0 =	simm.s32 @!p0 $0x0  }
0x12: {  	s1 =	sld [smem:$0x3F94];
	s0 =	simm.s32 @p0 $0x1  }
0x13: {  	[smem:$0x3FAF] =	sst s0;
	s0 =	simm.s32 @!p1 $0x0  }
0x14: {  	s2 =	sld [smem:$0x3F93];
	s0 =	simm.s32 @p1 $0x1  }
0x15: {  	[smem:$0x3FB0] =	sst s0;
	s0 =	simm.s32 @!p2 $0x0  }
0x16: {  	s3 =	sld [smem:$0x3FDB];
	s0 =	simm.s32 @p2 $0x1  }
0x17: {  	s4 =	simm.s32 $0x1BF5;
	[smem:$0x3FB2] =	sst s0  }
0x18: {  	s0 =	sld [smem:$0x3F95];
	_ =	swait.ge [sflag:s4], $0x0  }
0x19: {  	s7 =	sld [smem:$0x3F96]  }
0x1a: {  	s8 =	sadd.s32 $0xFFFFE003, lr  }
0x1b: {  	s9 =	sadd.s32 $0xFFFFFEF7, lr;
	s5 =	simm.s32 $0xFFFFFFFF;
	p2 =	slt.u32 s8, $0xFFFFF086  }
0x1c: {  	p1 =	slt.u32 s9, $0xF7A;
	s5 =	simm.s32 @!p2 $0x0  }
0x1d: {  	s5 =	simm.s32 @p1 $0x1;
	p0 =	seq.s32 s7, s2  }
0x1e: {  	s7 =	smul.u32 @!p0 $0xF7A, s2;
	p2 =	seq.s32 @!p0 s5, $0x0  }
0x1f: {  	s9 =	smul.u32 $0xF7A, s1;
	s8 =	simm.s32 @!p0 $0x1BF5;
	p2 =	por !p2, p0  }
0x20: {  	[sflag:s8] =	ssyncset.s32 @!p0 $0xFFFFF086;
	s6 =	sadd.s32 @!p0 s3, s7;
	s7 =	simm.s32 @!p0 $0x108  }
0x21: {  	s3 =	sadd.s32 s3, s9;
	s6 =	sadd.s32 @!p0 $0x88, s6;
	s7 =	simm.s32 @p2 $0x1082  }
0x22: {  	[simem:s7], [sflag:s8] =	dma.local @!p0 [hbm:s6], $0xF7A  }
0x23: {  	s9 =	sor.u32 $0xD0000000, s2;
	s6 =	simm.s32 $0x108;
	_ =	swait.ge @!p0 [sflag:s8], $0x0  }
0x24: {  	s3 =	sadd.s32 $0x88, s3;
	s6 =	simm.s32 @!p1 $0x1082;
	[sflag:s4] =	ssyncset.s32 $0xFFFFF086  }
0x25: {  	[simem:s6], [sflag:s4] =	dma.local [hbm:s3], $0xF7A  }
0x26: {  	[smem:$0x3F96] =	sst s1;
	(tag) =	ssettag s2;
	_ =	strace s9  }
0x27: {  	s1 =	sld [smem:$0x3FA6]  }
0x28: {  	s2 =	sld [smem:$0x3FA7]  }
0x29: {  	s4 =	sld [smem:$0x3FA9]  }
0x2a: {  	p0 =	seq.s32 s5, $0x0;
	s5 =	sld [smem:$0x3FAA]  }
0x2b: {  	s6 =	sld [smem:$0x3FAB]  }
0x2c: {  	s7 =	sld [smem:$0x3FAC]  }
0x2d: {  	s3 =	simm.s32 $0x108;
	s8 =	sld [smem:$0x3FAD]  }
0x2e: {  	s3 =	simm.s32 @!p0 $0x1082;
	s9 =	sld [smem:$0x3FAE]  }
0x2f: {  	lr =	sadd.s32 s0, s3;
	s0 =	sld [smem:$0x3FA5]  }
0x30: {  	s3 =	sld [smem:$0x3FA8]  }
0x31: {  	[smem:$0x3FB1] =	sst s10  }
0x32: {  	s10 =	sld [smem:$0x3FAF];
	_ =	sdelay $0x3  }
0x33: {  	p0 =	seq.s32 s10, $0x1;
	s10 =	sld [smem:$0x3FB1];
	_ =	sdelay $0x3  }
0x34: {  	[smem:$0x3FB1] =	sst s10  }
0x35: {  	s10 =	sld [smem:$0x3FB0];
	_ =	sdelay $0x3  }
0x36: {  	p1 =	seq.s32 s10, $0x1;
	s10 =	sld [smem:$0x3FB1];
	_ =	sdelay $0x3  }
0x37: {  	[smem:$0x3FB1] =	sst s10  }
0x38: {  	s10 =	sld [smem:$0x3FB2]  }
0x39: {  	_ = 	snop;
	(pc) =	sbr.ind lr, $3  }
0x3a: {  	_ = 	snop  }
0x3b: {  	_ = 	snop  }
0x3c: {  	p2 =	seq.s32 s10, $0x1;
	s10 =	sld [smem:$0x3FB1]  }
0x3d: {  	_ =	shalt  }
0x3e: {  	_ =	shalt  }
0x3f: {  	_ =	shalt  }
0x40: {  	_ =	shalt  }
0x41: {  	_ =	shalt  }
0x42: {  	_ =	shalt  }
0x43: {  	_ =	shalt  }
0x44: {  	_ =	shalt  }
0x45: {  	_ =	shalt  }
0x46: {  	_ =	shalt  }
0x47: {  	_ =	shalt  }
0x48: {  	_ =	shalt  }
0x49: {  	_ =	shalt  }
0x4a: {  	_ =	shalt  }
0x4b: {  	_ =	shalt  }
0x4c: {  	_ =	shalt  }
0x4d: {  	_ =	shalt  }
0x4e: {  	_ =	shalt  }
0x4f: {  	_ =	shalt  }
0x50: {  	_ =	shalt  }
0x51: {  	_ =	shalt  }
0x52: {  	_ =	shalt  }
0x53: {  	_ =	shalt  }
0x54: {  	_ =	shalt  }
0x55: {  	_ =	shalt  }
0x56: {  	_ =	shalt  }
0x57: {  	_ =	shalt  }
0x58: {  	_ =	shalt  }
0x59: {  	_ =	shalt  }
0x5a: {  	_ =	shalt  }
0x5b: {  	_ =	shalt  }
0x5c: {  	_ =	shalt  }
0x5d: {  	_ =	shalt  }
0x5e: {  	_ =	shalt  }
0x5f: {  	_ =	shalt  }
0x60: {  	_ =	shalt  }
0x61: {  	_ =	shalt  }
0x62: {  	_ =	shalt  }
0x63: {  	_ =	shalt  }
0x64: {  	_ =	shalt  }
0x65: {  	_ =	shalt  }
0x66: {  	_ =	shalt  }
0x67: {  	_ =	shalt  }
0x68: {  	_ =	shalt  }
0x69: {  	_ =	shalt  }
0x6a: {  	_ =	shalt  }
0x6b: {  	_ =	shalt  }
0x6c: {  	_ =	shalt  }
0x6d: {  	_ =	shalt  }
0x6e: {  	_ =	shalt  }
0x6f: {  	_ =	shalt  }
0x70: {  	_ =	shalt  }
0x71: {  	_ =	shalt  }
0x72: {  	_ =	shalt  }
0x73: {  	_ =	shalt  }
0x74: {  	_ =	shalt  }
0x75: {  	_ =	shalt  }
0x76: {  	_ =	shalt  }
0x77: {  	_ =	shalt  }
0x78: {  	_ =	shalt  }
0x79: {  	_ =	shalt  }
0x7a: {  	_ =	shalt  }
0x7b: {  	_ =	shalt  }
0x7c: {  	_ =	shalt  }
0x7d: {  	_ =	shalt  }
0x7e: {  	_ =	shalt  }
0x7f: {  	_ =	shalt  }
0x80: {  	_ =	shalt  }
0x81: {  	_ =	shalt  }
0x82: {  	_ =	shalt  }
0x83: {  	_ =	shalt  }
0x84: {  	_ =	shalt  }
0x85: {  	_ =	shalt  }
0x86: {  	_ =	shalt  }
0x87: {  	_ =	shalt  }
.Lfunc_end0:
.L_simem_size_0:
called_computation.2_lowered:
.L_overlay_start_0:
0x88: {  	s2 =	sld [smem:$0x3FD9]  }
0x89: {  	s3 =	sld [smem:$0x3FFE];
	_ =	sdelay $0x1  }
0x8a: {  	s1 =	srdreg.scid  }
0x8b: {  	s0 =	sand.u32 $0x1, s1  }
0x8c: {  	s17 =	sshll.u32 s0, $0xA;
	s2 =	sadd.s32 s3, s2  }
0x8d: {  	s2 =	sadd.s32 s2, s17  }
0x8e: {  	[smem:$0x3FBD] =	sst s2  }
0x8f: {  	_ = 	snop  }
0x90: {  	s2 =	sld [smem:$0x3FD0];
	(tm) =	ssettm $0x1  }
0x91: {  	s18 =	sld [smem:$0x3FFB];
	_ =	sdelay $0x3  }
0x92: {  	_ =	strace s18  }
0x93: {  	s3 =	sld [smem:$0x3FFC];
	_ =	sdelay $0x3  }
0x94: {  	_ =	strace s3  }
0x95: {  	s3 =	sld [smem:$0x3FFD];
	_ =	sdelay $0x3  }
0x96: {  	_ =	strace s3  }
0x97: {  	_ =	strace $0x8FFFFFFF  }
0x98: {  	s19 =	sld [smem:$0x3FDB];
	_ =	sdelay $0x1  }
0x99: {  	s4 =	simm.s32 $_scs_section_size  }
0x9a: {  	s5 =	simm.s32 $_size__tile_overlayer_lowered;
	s6 =	simm.s32 $_tile_overlayer_lowered  }
0x9b: {  	s22 =	simm.s32 $0x1BFF;
	s21 =	sshll.u32 s6, $0x1;
	s3 =	sadd.s32 s4, s19  }
0x9c: {  	s7 =	simm.s32 $0x0;
	s20 =	sshll.u32 s5, $0x1;
	s5 =	sadd.s32 s21, s3  }
0x9d: {  	[timem:s7], [sflag:s22] =	dma.local [hbm:s5], s20  }
0x9e: {  	_ =	swait.ge [sflag:s22], s20  }
0x9f: {  	s4 =	ssub.s32 $0x0, s20;
	[sflag:s22] =	ssyncset.done $0x0  }
0xa0: {  	[sflag:s22] =	ssyncadd.s32 s4;
	_ =	sdelay $0x1  }
0xa1: {  	s23 =	simm.s32 $0x1B8B  }
0xa2: {  	_ =	swait.ge [sflag:s23], $0x1  }
0xa3: {  	[sflag:s23] =	ssyncset.done $0x0  }
0xa4: {  	s25 =	simm.s32 $0x1B8E;
	s24 =	sld [smem:$0x3FFE];
	[sflag:s23] =	ssyncadd.s32 $0xFFFFFFFF  }
0xa5: {  	s26 =	simm.s32 $execute0_lowered;
	[smem:$0x3FD2] =	sst s25  }
0xa6: {  	s5 =	sshll.u32 s26, $0x1;
	_ =	strace $0x8000004C;
	[dreg:$0x1] =	wrdreg $0xFFFFFFFF  }
0xa7: {  	s28 =	simm.s32 $_size_execute0_lowered;
	s3 =	sadd.s32 s3, s5;
	[dreg:$0x0] =	wrdreg $0x0  }
0xa8: {  	s5 =	sshll.u32 s28, $0x1;
	[dreg:$0x2] =	wrdreg s3  }
0xa9: {  	[dreg:$0x3] =	wrdreg s5  }
0xaa: {  	[dreg:$0x4] =	wrdreg $0xC0  }
0xab: {  	_ =	task [dreg:s7], $0x5FFFF  }
0xac: {  	[dreg:$0x1] =	wrdreg $0xFFFFFFFF  }
0xad: {  	[dreg:$0x0] =	wrdreg $0x60  }
0xae: {  	[dreg:$0x2] =	wrdreg s24  }
0xaf: {  	[dreg:$0x3] =	wrdreg s2  }
0xb0: {  	[dreg:$0x4] =	wrdreg $0xDE800  }
0xb1: {  	[dreg:$0x5] =	wrdreg $0x9  }
0xb2: {  	_ =	task.clear_ibuf [dreg:s7], $0x6FFFF;
	_ =	strace $0x9000004C  }
0xb3: {  	s29 =	simm.s32 $0x9;
	_ =	strace $0x8000004E  }
0xb4: {  	_ =	swait.ge [sflag:s29], $0x1  }
0xb5: {  	[sflag:s29] =	ssyncadd.s32 $0xFFFFFFFF  }
0xb6: {  	_ =	strace $0x9000004E  }
0xb7: {  	_ =	sfence  }
0xb8: {  	s30 =	sld [smem:$0x0];
	_ =	sdelay $0x2  }
0xb9: {  	s31 =	sshll.u32 s1, $0xD;
	s1 =	sshrl.u32 s1, $0x2  }
0xba: {  	s3 =	sand.u32 $0x4000, s31;
	s1 =	sadd.s32 s1, s30  }
0xbb: {  	s0 =	sor.u32 s3, s0;
	s1 =	sshll.u32 s1, $0x11  }
0xbc: {  	s0 =	sor.u32 s1, s0  }
0xbd: {  	s0 =	sadd.s32 $0x8F2B, s0  }
0xbe: {  	[sflag:s0] =	ssyncadd.remote.s32 $0x1  }
0xbf: {  	_ =	sfence.sel $0xFFFF  }
0xc0: {  	[dreg:$0x0] =	wrdreg $0xFFFFFFFF;
	(pc) =	sbr.abs _section_cstart, $3  }
0xc1: {  	[dreg:$0x1] =	wrdreg $0xFFFFFFFF  }
0xc2: {  	_ =	task.clear_ibuf [dreg:s7], $0x2FFFF;
	_ =	strace $0x9FFFFFFF  }
0xc3: {  	(tm) =	ssettm $0x7FFFFFFF  }
tec
execute0_lowered:
.L_overlay_start_1:
0x0: {  	(tag) =	ssettag $0x1  }
0x1: {  	s6 =	rddreg [dreg:$0x0]  }
0x2: {  	s7 =	rddreg [dreg:$0x1]  }
0x3: {  	s2 =	rddreg [dreg:$0x2]  }
0x4: {  	s0 =	rddreg [dreg:$0x3]  }
0x5: {  	s1 =	stileid.u32;
	s4 =	srdreg.scid  }
0x6: {  	s3 =	simm.s32 $0x0;
	s15 =	simm.s32 $0xA000;
	s16 =	simm.s32 $0x80  }
0x7: {  	s17 =	simm.s32 $0xBF40;
	s18 =	simm.s32 $0x1;
	s19 =	simm.s32 $0x2  }
0x8: {  	s20 =	simm.s32 $0x9F00;
	s21 =	simm.s32 $0x9F80;
	s8 =	smul.u32 $0x5000, s1  }
0x9: {  	s22 =	simm.s32 $0x0;
	s9 =	sand.u32 $0x1, s4;
	s10 =	smul.u32 $0xA000, s1  }
0xa: {  	[smem:$0x7FF] =	sst s3;
	s4 =	sadd.s32 $0x72200, s6;
	s5 =	smul.u32 $0xA0000, s9  }
0xb: {  	s31 =	sshll.u32 s1, $0x6;
	s13 =	smul.u32 $0x50000, s9;
	s9 =	ssub.s32 $0x2, s9  }
0xc: {  	_ =	strace $0x8000004D;
	s11 =	sshrl.u32 s8, $0x3;
	s29 =	sshrl.u32 s9, $0x1  }
0xd: {  	s14 =	sadd.s32 s10, s2;
	s11 =	sadd.s32 s11, s6;
	s12 =	sadd.s32 s10, s5  }
0xe: {  	s5 =	sadd.s32 $0x9A200, s6;
	s8 =	sadd.s32 s8, s13;
	s30 =	ssub.s32 s9, s29  }
0xf: {  	s13 =	simm.s32 $0x5000;
	s12 =	sshrl.u32 s12, $0x3;
	s8 =	sshrl.u32 s8, $0x3  }
0x10: {  	s10 =	smax.u32 s30, $0x1;
	s12 =	sadd.s32 s12, s6;
	s6 =	sor.u32 $0x1C03, s31  }
0x11: {  	s7 =	sadd.s32 s7, s8;
	s8 =	sadd.s32 $0x18200, s11;
	s11 =	sshrl.u32 s14, $0x3  }
0x12: {  	s14 =	simm.s32 $0x7D;
	s9 =	sadd.s32 $0x9B600, s12;
	s12 =	simm.s32 $0x3  }
.LBB2_1:
0x13: {  	[spmem:s11], [sflag:s6] =	dma.local [hbm:s5], $0x1400  }
0x14: {  	_ =	swait.ge [sflag:s12], $0x1400  }
0x15: {  	[sflag:s12] =	ssyncset.done $0x0  }
0x16: {  	[sflag:s12] =	ssyncadd.s32 $0xFFFFEC00  }
0x17: {  	[tilespmem:s3], [sflag:$0x3] =	stream.linear.gather [hbm4b:s7+s3], $0x5000, $0x38;
	[tilespmem:$0x17E80] =	vst v63  }
0x18: {  	_ =	swait.ge [sflag:s12], $0x5000  }
0x19: {  	[sflag:s12] =	ssyncset.done $0x0  }
0x1a: {  	[sflag:s12] =	ssyncadd.s32 $0xFFFFB000  }
0x1b: {  	[tilespmem:s13], [sflag:$0x3] =	stream.linear.gather [hbm4b:s8+s3], $0x5000, $0x38;
	[tilespmem:$0x17E80] =	vst v63  }
0x1c: {  	_ =	swait.ge [sflag:s12], $0x5000  }
0x1d: {  	[sflag:s12] =	ssyncset.done $0x0  }
0x1e: {  	[sflag:s12] =	ssyncadd.s32 $0xFFFFB000  }
0x1f: {  	[bflag:$0x0] =	sbarrier.arrive $0xFFFF  }
0x20: {  	[tilespmem:s15], [sflag:$0x1] =	stream.indirect.gather [hbm4b:s4+s14], $0x40, s3, s14, $0xb8;
	[tilespmem:$0x17E80] =	vst v63  }
0x21: {  	_ = 	snop  }
0x22: {  	[tilespmem:s17], [sflag:$0x2] =	stream.indirect.gather [hbm4b:s4+s14], $0x40, s16, s14, $0xb8;
	[tilespmem:$0x17E80] =	vst v63  }
0x23: {  	_ =	swait.ge [sflag:s18], $0x1F40  }
0x24: {  	[sflag:s18] =	ssyncset.done $0x0  }
0x25: {  	s23 =	simm.s32 $0x5000;
	[sflag:s18] =	ssyncadd.s32 $0xFFFFE0C0  }
0x26: {  	[spmem:s2] =	stream.indirect.scatter.add.f32 [tilespmem:s15], [sflag:$0x3], $0x40, s23, s14, $0xb8;
	[tilespmem:$0x17E80] =	vst v63  }
0x27: {  	_ =	swait.ge [sflag:s12], $0x1F40  }
0x28: {  	[sflag:s12] =	ssyncset.done $0x0  }
0x29: {  	s30 =	simm.s32 $0x100;
	[sflag:s12] =	ssyncadd.s32 $0xFFFFE0C0  }
0x2a: {  	[tilespmem:s15], [sflag:$0x1] =	stream.indirect.gather [hbm4b:s4+s14], $0x40, s30, s14, $0xb8;
	[tilespmem:$0x17E80] =	vst v63  }
0x2b: {  	_ =	swait.ge [sflag:s19], $0x1F40  }
0x2c: {  	[sflag:s19] =	ssyncset.done $0x0  }
0x2d: {  	s31 =	simm.s32 $0x5080;
	[sflag:s19] =	ssyncadd.s32 $0xFFFFE0C0  }
0x2e: {  	[spmem:s2] =	stream.indirect.scatter.add.f32 [tilespmem:s17], [sflag:$0x3], $0x40, s31, s14, $0xb8;
	[tilespmem:$0x17E80] =	vst v63  }
0x2f: {  	_ =	swait.ge [sflag:s12], $0x1F40  }
0x30: {  	[sflag:s12] =	ssyncset.done $0x0  }
0x31: {  	s24 =	simm.s32 $0x180;
	s23 =	simm.s32 $0x400;
	[sflag:s12] =	ssyncadd.s32 $0xFFFFE0C0  }
.LBB2_2:
0x32: {  	[tilespmem:s17], [sflag:$0x2] =	stream.indirect.gather [hbm4b:s4+s14], $0x40, s24, s14, $0xb8;
	[tilespmem:$0x17E80] =	vst v63  }
0x33: {  	s24 =	smov.u32 s23  }
0x34: {  	p0 =	sne.s32 s23, $0x13800;
	s23 =	sadd.s32 $0x400, s23;
	_ =	swait.ge [sflag:s18], $0x1F40  }
0x35: {  	s24 =	sshra.s32 s24, $0x2;
	[sflag:s18] =	ssyncset.done $0x0  }
0x36: {  	s25 =	sadd.s32 $0x5000, s24;
	[sflag:s18] =	ssyncadd.s32 $0xFFFFE0C0  }
0x37: {  	[spmem:s2] =	stream.indirect.scatter.add.f32 [tilespmem:s15], [sflag:$0x3], $0x40, s25, s14, $0xb8;
	[tilespmem:$0x17E80] =	vst v63  }
0x38: {  	_ =	swait.ge [sflag:s12], $0x1F40  }
0x39: {  	[sflag:s12] =	ssyncset.done $0x0  }
0x3a: {  	s25 =	sadd.s32 $0x100, s24;
	[sflag:s12] =	ssyncadd.s32 $0xFFFFE0C0  }
0x3b: {  	[tilespmem:s15], [sflag:$0x1] =	stream.indirect.gather [hbm4b:s4+s14], $0x40, s25, s14, $0xb8;
	[tilespmem:$0x17E80] =	vst v63  }
0x3c: {  	_ =	swait.ge [sflag:s19], $0x1F40  }
0x3d: {  	[sflag:s19] =	ssyncset.done $0x0  }
.Ltmp0:
0x3e: {  	s25 =	sadd.s32 $0x5080, s24;
	[sflag:s19] =	ssyncadd.s32 $0xFFFFE0C0;
	(pc) =	sbr.rel @p0 .LBB2_2-.Ltmp0, $4  }
0x3f: {  	[spmem:s2] =	stream.indirect.scatter.add.f32 [tilespmem:s17], [sflag:$0x3], $0x40, s25, s14, $0xb8;
	[tilespmem:$0x17E80] =	vst v63  }
0x40: {  	_ =	swait.ge [sflag:s12], $0x1F40  }
0x41: {  	[sflag:s12] =	ssyncset.done $0x0  }
0x42: {  	s24 =	sadd.s32 $0x180, s24;
	[sflag:s12] =	ssyncadd.s32 $0xFFFFE0C0  }
0x43: {  	[tilespmem:s17], [sflag:$0x2] =	stream.indirect.gather [hbm4b:s4+s14], $0x40, s24, s14, $0xb8;
	[tilespmem:$0x17E80] =	vst v63  }
0x44: {  	_ =	swait.ge [sflag:s18], $0x1F40  }
0x45: {  	[sflag:s18] =	ssyncset.done $0x0  }
0x46: {  	[sflag:s18] =	ssyncadd.s32 $0xFFFFE0C0  }
0x47: {  	[spmem:s2] =	stream.indirect.scatter.add.f32 [tilespmem:s15], [sflag:$0x3], $0x40, s20, s14, $0xb8;
	[tilespmem:$0x17E80] =	vst v63  }
0x48: {  	_ =	swait.ge [sflag:s12], $0x1F40  }
0x49: {  	[sflag:s12] =	ssyncset.done $0x0  }
0x4a: {  	[sflag:s12] =	ssyncadd.s32 $0xFFFFE0C0  }
0x4b: {  	_ =	swait.ge [sflag:s19], $0x1F40  }
0x4c: {  	[sflag:s19] =	ssyncset.done $0x0  }
0x4d: {  	[sflag:s19] =	ssyncadd.s32 $0xFFFFE0C0  }
0x4e: {  	[spmem:s2] =	stream.indirect.scatter.add.f32 [tilespmem:s17], [sflag:$0x3], $0x40, s21, s14, $0xb8;
	[tilespmem:$0x17E80] =	vst v63  }
0x4f: {  	_ =	swait.ge [sflag:s12], $0x1F40  }
0x50: {  	s22 =	sadd.s32 $0x1, s22;
	[sflag:s12] =	ssyncset.done $0x0  }
0x51: {  	p0 =	sne.s32 s22, s10;
	[sflag:s12] =	ssyncadd.s32 $0xFFFFE0C0  }
.Ltmp1:
0x52: {  	[bflag:$0x0] =	sbarrier.arrive $0xFFFF;
	(pc) =	sbr.rel @p0 .LBB2_1-.Ltmp1, $4  }
0x53: {  	[hbm:s9], [sflag:s6] =	dma.local [spmem:s11], $0x1400  }
0x54: {  	_ =	swait.ge [sflag:s12], $0x1400  }
0x55: {  	[sflag:s12] =	ssyncset.done $0x0  }
0x56: {  	[sflag:s12] =	ssyncadd.s32 $0xFFFFEC00  }
0x57: {  	_ =	sfence.sel $0x180000  }
0x58: {  	[bflag:$0x0] =	sbarrier.arrive $0xFFFF  }
0x59: {  	p0 =	sne.s32 s1, $0x0;
	_ =	strace $0x9000004D  }
0x5a: {  	s0 =	sadd.s32 @!p0 $0x100000, s0;
	[bflag:$0x2] =	sbarrier.arrive $0xFFFF  }
0x5b: {  	[sflag:s0] =	ssyncadd.tile.s32 @!p0 $0x1;
	_ =	shalt  }
.Lfunc_end2:
_tile_overlayer_lowered:
.L_overlay_start_2:
0x5c: {  	(tag) =	ssettag $0x2  }
0x5d: {  	s0 =	rddreg [dreg:$0x0];
	s2 =	stileid.u32  }
0x5e: {  	s1 =	rddreg [dreg:$0x1];
	p0 =	sne.s32 s2, $0x0  }
0x5f: {  	s3 =	rddreg [dreg:$0x2];
	[bflag:$0x3] =	sbarrier.arrive $0xFFFF;
	s2 =	simm.s32 @!p0 $0x1C03  }
0x60: {  	[timem:s3], [sflag:s2] =	dma.local @!p0 [hbm:s0], s1  }
0x61: {  	s0 =	simm.s32 @!p0 $0x3  }
0x62: {  	_ =	swait.ge @!p0 [sflag:s0], s1  }
0x63: {  	s1 =	ssub.s32 @!p0 $0x0, s1;
	[sflag:s0] =	ssyncset.done @!p0 $0x0  }
0x64: {  	[sflag:s0] =	ssyncadd.s32 @!p0 s1  }
0x65: {  	[bflag:$0x3] =	sbarrier.arrive $0xFFFF  }
0x66: {  	_ =	shalt  }

// kernel: kernel.18.cloned.1.call-start
scs
__scs_entry_jumppad:
0x0: {  	(pc) =	sbr.rel $0x88, $3  }
0x1: {  	(tag) =	ssettag $0x0;
	lr =	simm.s32 $0x1  }
0x2: {  	[smem:$0x3F96] =	sst lr;
	_ =	strace $0xD0000000  }
0x3: {  	_ = 	snop  }
0x4: {  	_ = 	snop  }
0x5: {  	_ = 	snop  }
0x6: {  	_ = 	snop  }
0x7: {  	_ = 	snop  }
__scs_overlays_trampoline_lowered:
0x8: {  	[smem:$0x3FA5] =	sst s0  }
0x9: {  	[smem:$0x3FA6] =	sst s1  }
0xa: {  	[smem:$0x3FA7] =	sst s2  }
0xb: {  	[smem:$0x3FA8] =	sst s3  }
0xc: {  	[smem:$0x3FA9] =	sst s4  }
0xd: {  	[smem:$0x3FAA] =	sst s5  }
0xe: {  	[smem:$0x3FAB] =	sst s6  }
0xf: {  	[smem:$0x3FAC] =	sst s7  }
0x10: {  	[smem:$0x3FAD] =	sst s8  }
0x11: {  	[smem:$0x3FAE] =	sst s9;
	s0 =	simm.s32 @!p0 $0x0  }
0x12: {  	s1 =	sld [smem:$0x3F94];
	s0 =	simm.s32 @p0 $0x1  }
0x13: {  	[smem:$0x3FAF] =	sst s0;
	s0 =	simm.s32 @!p1 $0x0  }
0x14: {  	s2 =	sld [smem:$0x3F93];
	s0 =	simm.s32 @p1 $0x1  }
0x15: {  	[smem:$0x3FB0] =	sst s0;
	s0 =	simm.s32 @!p2 $0x0  }
0x16: {  	s3 =	sld [smem:$0x3FDB];
	s0 =	simm.s32 @p2 $0x1  }
0x17: {  	s4 =	simm.s32 $0x1BF5;
	[smem:$0x3FB2] =	sst s0  }
0x18: {  	s0 =	sld [smem:$0x3F95];
	_ =	swait.ge [sflag:s4], $0x0  }
0x19: {  	s7 =	sld [smem:$0x3F96]  }
0x1a: {  	s8 =	sadd.s32 $0xFFFFE003, lr  }
0x1b: {  	s9 =	sadd.s32 $0xFFFFFEF7, lr;
	s5 =	simm.s32 $0xFFFFFFFF;
	p2 =	slt.u32 s8, $0xFFFFF086  }
0x1c: {  	p1 =	slt.u32 s9, $0xF7A;
	s5 =	simm.s32 @!p2 $0x0  }
0x1d: {  	s5 =	simm.s32 @p1 $0x1;
	p0 =	seq.s32 s7, s2  }
0x1e: {  	s7 =	smul.u32 @!p0 $0xF7A, s2;
	p2 =	seq.s32 @!p0 s5, $0x0  }
0x1f: {  	s9 =	smul.u32 $0xF7A, s1;
	s8 =	simm.s32 @!p0 $0x1BF5;
	p2 =	por !p2, p0  }
0x20: {  	[sflag:s8] =	ssyncset.s32 @!p0 $0xFFFFF086;
	s6 =	sadd.s32 @!p0 s3, s7;
	s7 =	simm.s32 @!p0 $0x108  }
0x21: {  	s3 =	sadd.s32 s3, s9;
	s6 =	sadd.s32 @!p0 $0x88, s6;
	s7 =	simm.s32 @p2 $0x1082  }
0x22: {  	[simem:s7], [sflag:s8] =	dma.local @!p0 [hbm:s6], $0xF7A  }
0x23: {  	s9 =	sor.u32 $0xD0000000, s2;
	s6 =	simm.s32 $0x108;
	_ =	swait.ge @!p0 [sflag:s8], $0x0  }
0x24: {  	s3 =	sadd.s32 $0x88, s3;
	s6 =	simm.s32 @!p1 $0x1082;
	[sflag:s4] =	ssyncset.s32 $0xFFFFF086  }
0x25: {  	[simem:s6], [sflag:s4] =	dma.local [hbm:s3], $0xF7A  }
0x26: {  	[smem:$0x3F96] =	sst s1;
	(tag) =	ssettag s2;
	_ =	strace s9  }
0x27: {  	s1 =	sld [smem:$0x3FA6]  }
0x28: {  	s2 =	sld [smem:$0x3FA7]  }
0x29: {  	s4 =	sld [smem:$0x3FA9]  }
0x2a: {  	p0 =	seq.s32 s5, $0x0;
	s5 =	sld [smem:$0x3FAA]  }
0x2b: {  	s6 =	sld [smem:$0x3FAB]  }
0x2c: {  	s7 =	sld [smem:$0x3FAC]  }
0x2d: {  	s3 =	simm.s32 $0x108;
	s8 =	sld [smem:$0x3FAD]  }
0x2e: {  	s3 =	simm.s32 @!p0 $0x1082;
	s9 =	sld [smem:$0x3FAE]  }
0x2f: {  	lr =	sadd.s32 s0, s3;
	s0 =	sld [smem:$0x3FA5]  }
0x30: {  	s3 =	sld [smem:$0x3FA8]  }
0x31: {  	[smem:$0x3FB1] =	sst s10  }
0x32: {  	s10 =	sld [smem:$0x3FAF];
	_ =	sdelay $0x3  }
0x33: {  	p0 =	seq.s32 s10, $0x1;
	s10 =	sld [smem:$0x3FB1];
	_ =	sdelay $0x3  }
0x34: {  	[smem:$0x3FB1] =	sst s10  }
0x35: {  	s10 =	sld [smem:$0x3FB0];
	_ =	sdelay $0x3  }
0x36: {  	p1 =	seq.s32 s10, $0x1;
	s10 =	sld [smem:$0x3FB1];
	_ =	sdelay $0x3  }
0x37: {  	[smem:$0x3FB1] =	sst s10  }
0x38: {  	s10 =	sld [smem:$0x3FB2]  }
0x39: {  	_ = 	snop;
	(pc) =	sbr.ind lr, $3  }
0x3a: {  	_ = 	snop  }
0x3b: {  	_ = 	snop  }
0x3c: {  	p2 =	seq.s32 s10, $0x1;
	s10 =	sld [smem:$0x3FB1]  }
0x3d: {  	_ =	shalt  }
0x3e: {  	_ =	shalt  }
0x3f: {  	_ =	shalt  }
0x40: {  	_ =	shalt  }
0x41: {  	_ =	shalt  }
0x42: {  	_ =	shalt  }
0x43: {  	_ =	shalt  }
0x44: {  	_ =	shalt  }
0x45: {  	_ =	shalt  }
0x46: {  	_ =	shalt  }
0x47: {  	_ =	shalt  }
0x48: {  	_ =	shalt  }
0x49: {  	_ =	shalt  }
0x4a: {  	_ =	shalt  }
0x4b: {  	_ =	shalt  }
0x4c: {  	_ =	shalt  }
0x4d: {  	_ =	shalt  }
0x4e: {  	_ =	shalt  }
0x4f: {  	_ =	shalt  }
0x50: {  	_ =	shalt  }
0x51: {  	_ =	shalt  }
0x52: {  	_ =	shalt  }
0x53: {  	_ =	shalt  }
0x54: {  	_ =	shalt  }
0x55: {  	_ =	shalt  }
0x56: {  	_ =	shalt  }
0x57: {  	_ =	shalt  }
0x58: {  	_ =	shalt  }
0x59: {  	_ =	shalt  }
0x5a: {  	_ =	shalt  }
0x5b: {  	_ =	shalt  }
0x5c: {  	_ =	shalt  }
0x5d: {  	_ =	shalt  }
0x5e: {  	_ =	shalt  }
0x5f: {  	_ =	shalt  }
0x60: {  	_ =	shalt  }
0x61: {  	_ =	shalt  }
0x62: {  	_ =	shalt  }
0x63: {  	_ =	shalt  }
0x64: {  	_ =	shalt  }
0x65: {  	_ =	shalt  }
0x66: {  	_ =	shalt  }
0x67: {  	_ =	shalt  }
0x68: {  	_ =	shalt  }
0x69: {  	_ =	shalt  }
0x6a: {  	_ =	shalt  }
0x6b: {  	_ =	shalt  }
0x6c: {  	_ =	shalt  }
0x6d: {  	_ =	shalt  }
0x6e: {  	_ =	shalt  }
0x6f: {  	_ =	shalt  }
0x70: {  	_ =	shalt  }
0x71: {  	_ =	shalt  }
0x72: {  	_ =	shalt  }
0x73: {  	_ =	shalt  }
0x74: {  	_ =	shalt  }
0x75: {  	_ =	shalt  }
0x76: {  	_ =	shalt  }
0x77: {  	_ =	shalt  }
0x78: {  	_ =	shalt  }
0x79: {  	_ =	shalt  }
0x7a: {  	_ =	shalt  }
0x7b: {  	_ =	shalt  }
0x7c: {  	_ =	shalt  }
0x7d: {  	_ =	shalt  }
0x7e: {  	_ =	shalt  }
0x7f: {  	_ =	shalt  }
0x80: {  	_ =	shalt  }
0x81: {  	_ =	shalt  }
0x82: {  	_ =	shalt  }
0x83: {  	_ =	shalt  }
0x84: {  	_ =	shalt  }
0x85: {  	_ =	shalt  }
0x86: {  	_ =	shalt  }
0x87: {  	_ =	shalt  }
.Lfunc_end0:
.L_simem_size_0:
called_computation.3_lowered:
.L_overlay_start_0:
0x88: {  	s2 =	sld [smem:$0x3FD9]  }
0x89: {  	s3 =	sld [smem:$0x3FFE];
	_ =	sdelay $0x1  }
0x8a: {  	s1 =	srdreg.scid  }
0x8b: {  	s0 =	sand.u32 $0x1, s1  }
0x8c: {  	s17 =	sshll.u32 s0, $0xA;
	s2 =	sadd.s32 s3, s2  }
0x8d: {  	s2 =	sadd.s32 s2, s17  }
0x8e: {  	[smem:$0x3FBD] =	sst s2  }
0x8f: {  	_ = 	snop  }
0x90: {  	s2 =	sld [smem:$0x3FD0];
	(tm) =	ssettm $0x1  }
0x91: {  	s18 =	sld [smem:$0x3FFB];
	_ =	sdelay $0x3  }
0x92: {  	_ =	strace s18  }
0x93: {  	s3 =	sld [smem:$0x3FFC];
	_ =	sdelay $0x3  }
0x94: {  	_ =	strace s3  }
0x95: {  	s3 =	sld [smem:$0x3FFD];
	_ =	sdelay $0x3  }
0x96: {  	_ =	strace s3  }
0x97: {  	_ =	strace $0x8FFFFFFF  }
0x98: {  	s19 =	sld [smem:$0x3FDB];
	_ =	sdelay $0x1  }
0x99: {  	s4 =	simm.s32 $_scs_section_size  }
0x9a: {  	s5 =	simm.s32 $_size__tile_overlayer_lowered;
	s6 =	simm.s32 $_tile_overlayer_lowered  }
0x9b: {  	s22 =	simm.s32 $0x1BFF;
	s21 =	sshll.u32 s6, $0x1;
	s3 =	sadd.s32 s4, s19  }
0x9c: {  	s7 =	simm.s32 $0x0;
	s20 =	sshll.u32 s5, $0x1;
	s5 =	sadd.s32 s21, s3  }
0x9d: {  	[timem:s7], [sflag:s22] =	dma.local [hbm:s5], s20  }
0x9e: {  	_ =	swait.ge [sflag:s22], s20  }
0x9f: {  	s4 =	ssub.s32 $0x0, s20;
	[sflag:s22] =	ssyncset.done $0x0  }
0xa0: {  	[sflag:s22] =	ssyncadd.s32 s4;
	_ =	sdelay $0x1  }
0xa1: {  	s23 =	simm.s32 $0x1B8B  }
0xa2: {  	_ =	swait.ge [sflag:s23], $0x1  }
0xa3: {  	[sflag:s23] =	ssyncset.done $0x0  }
0xa4: {  	s25 =	simm.s32 $0x1B8E;
	s24 =	sld [smem:$0x3FFE];
	[sflag:s23] =	ssyncadd.s32 $0xFFFFFFFF  }
0xa5: {  	s26 =	simm.s32 $execute0_lowered;
	[smem:$0x3FD2] =	sst s25  }
0xa6: {  	s5 =	sshll.u32 s26, $0x1;
	_ =	strace $0x8000004F;
	[dreg:$0x1] =	wrdreg $0xFFFFFFFF  }
0xa7: {  	s28 =	simm.s32 $_size_execute0_lowered;
	s3 =	sadd.s32 s3, s5;
	[dreg:$0x0] =	wrdreg $0x0  }
0xa8: {  	s5 =	sshll.u32 s28, $0x1;
	[dreg:$0x2] =	wrdreg s3  }
0xa9: {  	[dreg:$0x3] =	wrdreg s5  }
0xaa: {  	[dreg:$0x4] =	wrdreg $0xC0  }
0xab: {  	_ =	task [dreg:s7], $0x5FFFF  }
0xac: {  	[dreg:$0x1] =	wrdreg $0xFFFFFFFF  }
0xad: {  	[dreg:$0x0] =	wrdreg $0x60  }
0xae: {  	[dreg:$0x2] =	wrdreg s24  }
0xaf: {  	[dreg:$0x3] =	wrdreg s2  }
0xb0: {  	[dreg:$0x4] =	wrdreg $0xDE800  }
0xb1: {  	[dreg:$0x5] =	wrdreg $0x9  }
0xb2: {  	_ =	task.clear_ibuf [dreg:s7], $0x6FFFF;
	_ =	strace $0x9000004F  }
0xb3: {  	s29 =	simm.s32 $0x9;
	_ =	strace $0x80000051  }
0xb4: {  	_ =	swait.ge [sflag:s29], $0x1  }
0xb5: {  	[sflag:s29] =	ssyncadd.s32 $0xFFFFFFFF  }
0xb6: {  	_ =	strace $0x90000051  }
0xb7: {  	_ =	sfence  }
0xb8: {  	s30 =	sld [smem:$0x0];
	_ =	sdelay $0x2  }
0xb9: {  	s31 =	sshll.u32 s1, $0xD;
	s1 =	sshrl.u32 s1, $0x2  }
0xba: {  	s3 =	sand.u32 $0x4000, s31;
	s1 =	sadd.s32 s1, s30  }
0xbb: {  	s0 =	sor.u32 s3, s0;
	s1 =	sshll.u32 s1, $0x11  }
0xbc: {  	s0 =	sor.u32 s1, s0  }
0xbd: {  	s0 =	sadd.s32 $0x8F2B, s0  }
0xbe: {  	[sflag:s0] =	ssyncadd.remote.s32 $0x1  }
0xbf: {  	_ =	sfence.sel $0xFFFF  }
0xc0: {  	[dreg:$0x0] =	wrdreg $0xFFFFFFFF;
	(pc) =	sbr.abs _section_cstart, $3  }
0xc1: {  	[dreg:$0x1] =	wrdreg $0xFFFFFFFF  }
0xc2: {  	_ =	task.clear_ibuf [dreg:s7], $0x2FFFF;
	_ =	strace $0x9FFFFFFF  }
0xc3: {  	(tm) =	ssettm $0x7FFFFFFF  }
tec
execute0_lowered:
.L_overlay_start_1:
0x0: {  	(tag) =	ssettag $0x1  }
0x1: {  	s6 =	rddreg [dreg:$0x0]  }
0x2: {  	s7 =	rddreg [dreg:$0x1]  }
0x3: {  	s2 =	rddreg [dreg:$0x2]  }
0x4: {  	s0 =	rddreg [dreg:$0x3]  }
0x5: {  	s1 =	stileid.u32;
	s4 =	srdreg.scid  }
0x6: {  	s3 =	simm.s32 $0x0;
	s15 =	simm.s32 $0xA000;
	s16 =	simm.s32 $0x80  }
0x7: {  	s17 =	simm.s32 $0xBF40;
	s18 =	simm.s32 $0x1;
	s19 =	simm.s32 $0x2  }
0x8: {  	s20 =	simm.s32 $0x9F00;
	s21 =	simm.s32 $0x9F80;
	s8 =	smul.u32 $0x5000, s1  }
0x9: {  	s22 =	simm.s32 $0x0;
	s9 =	sand.u32 $0x1, s4;
	s10 =	smul.u32 $0xA000, s1  }
0xa: {  	[smem:$0x7FF] =	sst s3;
	s4 =	sadd.s32 $0x72200, s6;
	s5 =	smul.u32 $0xA0000, s9  }
0xb: {  	s31 =	sshll.u32 s1, $0x6;
	s13 =	smul.u32 $0x50000, s9;
	s9 =	ssub.s32 $0x2, s9  }
0xc: {  	_ =	strace $0x80000050;
	s11 =	sshrl.u32 s8, $0x3;
	s29 =	sshrl.u32 s9, $0x1  }
0xd: {  	s14 =	sadd.s32 s10, s2;
	s11 =	sadd.s32 s11, s6;
	s12 =	sadd.s32 s10, s5  }
0xe: {  	s5 =	sadd.s32 $0x9A200, s6;
	s8 =	sadd.s32 s8, s13;
	s30 =	ssub.s32 s9, s29  }
0xf: {  	s13 =	simm.s32 $0x5000;
	s12 =	sshrl.u32 s12, $0x3;
	s8 =	sshrl.u32 s8, $0x3  }
0x10: {  	s10 =	smax.u32 s30, $0x1;
	s12 =	sadd.s32 s12, s6;
	s6 =	sor.u32 $0x1C03, s31  }
0x11: {  	s7 =	sadd.s32 s7, s8;
	s8 =	sadd.s32 $0x18200, s11;
	s11 =	sshrl.u32 s14, $0x3  }
0x12: {  	s14 =	simm.s32 $0x7D;
	s9 =	sadd.s32 $0x9B600, s12;
	s12 =	simm.s32 $0x3  }
.LBB2_1:
0x13: {  	[spmem:s11], [sflag:s6] =	dma.local [hbm:s5], $0x1400  }
0x14: {  	_ =	swait.ge [sflag:s12], $0x1400  }
0x15: {  	[sflag:s12] =	ssyncset.done $0x0  }
0x16: {  	[sflag:s12] =	ssyncadd.s32 $0xFFFFEC00  }
0x17: {  	[tilespmem:s3], [sflag:$0x3] =	stream.linear.gather [hbm4b:s7+s3], $0x5000, $0x38;
	[tilespmem:$0x17E80] =	vst v63  }
0x18: {  	_ =	swait.ge [sflag:s12], $0x5000  }
0x19: {  	[sflag:s12] =	ssyncset.done $0x0  }
0x1a: {  	[sflag:s12] =	ssyncadd.s32 $0xFFFFB000  }
0x1b: {  	[tilespmem:s13], [sflag:$0x3] =	stream.linear.gather [hbm4b:s8+s3], $0x5000, $0x38;
	[tilespmem:$0x17E80] =	vst v63  }
0x1c: {  	_ =	swait.ge [sflag:s12], $0x5000  }
0x1d: {  	[sflag:s12] =	ssyncset.done $0x0  }
0x1e: {  	[sflag:s12] =	ssyncadd.s32 $0xFFFFB000  }
0x1f: {  	[bflag:$0x0] =	sbarrier.arrive $0xFFFF  }
0x20: {  	[tilespmem:s15], [sflag:$0x1] =	stream.indirect.gather [hbm4b:s4+s14], $0x40, s3, s14, $0xb8;
	[tilespmem:$0x17E80] =	vst v63  }
0x21: {  	_ = 	snop  }
0x22: {  	[tilespmem:s17], [sflag:$0x2] =	stream.indirect.gather [hbm4b:s4+s14], $0x40, s16, s14, $0xb8;
	[tilespmem:$0x17E80] =	vst v63  }
0x23: {  	_ =	swait.ge [sflag:s18], $0x1F40  }
0x24: {  	[sflag:s18] =	ssyncset.done $0x0  }
0x25: {  	s23 =	simm.s32 $0x5000;
	[sflag:s18] =	ssyncadd.s32 $0xFFFFE0C0  }
0x26: {  	[spmem:s2] =	stream.indirect.scatter.add.f32 [tilespmem:s15], [sflag:$0x3], $0x40, s23, s14, $0xb8;
	[tilespmem:$0x17E80] =	vst v63  }
0x27: {  	_ =	swait.ge [sflag:s12], $0x1F40  }
0x28: {  	[sflag:s12] =	ssyncset.done $0x0  }
0x29: {  	s30 =	simm.s32 $0x100;
	[sflag:s12] =	ssyncadd.s32 $0xFFFFE0C0  }
0x2a: {  	[tilespmem:s15], [sflag:$0x1] =	stream.indirect.gather [hbm4b:s4+s14], $0x40, s30, s14, $0xb8;
	[tilespmem:$0x17E80] =	vst v63  }
0x2b: {  	_ =	swait.ge [sflag:s19], $0x1F40  }
0x2c: {  	[sflag:s19] =	ssyncset.done $0x0  }
0x2d: {  	s31 =	simm.s32 $0x5080;
	[sflag:s19] =	ssyncadd.s32 $0xFFFFE0C0  }
0x2e: {  	[spmem:s2] =	stream.indirect.scatter.add.f32 [tilespmem:s17], [sflag:$0x3], $0x40, s31, s14, $0xb8;
	[tilespmem:$0x17E80] =	vst v63  }
0x2f: {  	_ =	swait.ge [sflag:s12], $0x1F40  }
0x30: {  	[sflag:s12] =	ssyncset.done $0x0  }
0x31: {  	s24 =	simm.s32 $0x180;
	s23 =	simm.s32 $0x400;
	[sflag:s12] =	ssyncadd.s32 $0xFFFFE0C0  }
.LBB2_2:
0x32: {  	[tilespmem:s17], [sflag:$0x2] =	stream.indirect.gather [hbm4b:s4+s14], $0x40, s24, s14, $0xb8;
	[tilespmem:$0x17E80] =	vst v63  }
0x33: {  	s24 =	smov.u32 s23  }
0x34: {  	p0 =	sne.s32 s23, $0x13800;
	s23 =	sadd.s32 $0x400, s23;
	_ =	swait.ge [sflag:s18], $0x1F40  }
0x35: {  	s24 =	sshra.s32 s24, $0x2;
	[sflag:s18] =	ssyncset.done $0x0  }
0x36: {  	s25 =	sadd.s32 $0x5000, s24;
	[sflag:s18] =	ssyncadd.s32 $0xFFFFE0C0  }
0x37: {  	[spmem:s2] =	stream.indirect.scatter.add.f32 [tilespmem:s15], [sflag:$0x3], $0x40, s25, s14, $0xb8;
	[tilespmem:$0x17E80] =	vst v63  }
0x38: {  	_ =	swait.ge [sflag:s12], $0x1F40  }
0x39: {  	[sflag:s12] =	ssyncset.done $0x0  }
0x3a: {  	s25 =	sadd.s32 $0x100, s24;
	[sflag:s12] =	ssyncadd.s32 $0xFFFFE0C0  }
0x3b: {  	[tilespmem:s15], [sflag:$0x1] =	stream.indirect.gather [hbm4b:s4+s14], $0x40, s25, s14, $0xb8;
	[tilespmem:$0x17E80] =	vst v63  }
0x3c: {  	_ =	swait.ge [sflag:s19], $0x1F40  }
0x3d: {  	[sflag:s19] =	ssyncset.done $0x0  }
.Ltmp0:
0x3e: {  	s25 =	sadd.s32 $0x5080, s24;
	[sflag:s19] =	ssyncadd.s32 $0xFFFFE0C0;
	(pc) =	sbr.rel @p0 .LBB2_2-.Ltmp0, $4  }
0x3f: {  	[spmem:s2] =	stream.indirect.scatter.add.f32 [tilespmem:s17], [sflag:$0x3], $0x40, s25, s14, $0xb8;
	[tilespmem:$0x17E80] =	vst v63  }
0x40: {  	_ =	swait.ge [sflag:s12], $0x1F40  }
0x41: {  	[sflag:s12] =	ssyncset.done $0x0  }
0x42: {  	s24 =	sadd.s32 $0x180, s24;
	[sflag:s12] =	ssyncadd.s32 $0xFFFFE0C0  }
0x43: {  	[tilespmem:s17], [sflag:$0x2] =	stream.indirect.gather [hbm4b:s4+s14], $0x40, s24, s14, $0xb8;
	[tilespmem:$0x17E80] =	vst v63  }
0x44: {  	_ =	swait.ge [sflag:s18], $0x1F40  }
0x45: {  	[sflag:s18] =	ssyncset.done $0x0  }
0x46: {  	[sflag:s18] =	ssyncadd.s32 $0xFFFFE0C0  }
0x47: {  	[spmem:s2] =	stream.indirect.scatter.add.f32 [tilespmem:s15], [sflag:$0x3], $0x40, s20, s14, $0xb8;
	[tilespmem:$0x17E80] =	vst v63  }
0x48: {  	_ =	swait.ge [sflag:s12], $0x1F40  }
0x49: {  	[sflag:s12] =	ssyncset.done $0x0  }
0x4a: {  	[sflag:s12] =	ssyncadd.s32 $0xFFFFE0C0  }
0x4b: {  	_ =	swait.ge [sflag:s19], $0x1F40  }
0x4c: {  	[sflag:s19] =	ssyncset.done $0x0  }
0x4d: {  	[sflag:s19] =	ssyncadd.s32 $0xFFFFE0C0  }
0x4e: {  	[spmem:s2] =	stream.indirect.scatter.add.f32 [tilespmem:s17], [sflag:$0x3], $0x40, s21, s14, $0xb8;
	[tilespmem:$0x17E80] =	vst v63  }
0x4f: {  	_ =	swait.ge [sflag:s12], $0x1F40  }
0x50: {  	s22 =	sadd.s32 $0x1, s22;
	[sflag:s12] =	ssyncset.done $0x0  }
0x51: {  	p0 =	sne.s32 s22, s10;
	[sflag:s12] =	ssyncadd.s32 $0xFFFFE0C0  }
.Ltmp1:
0x52: {  	[bflag:$0x0] =	sbarrier.arrive $0xFFFF;
	(pc) =	sbr.rel @p0 .LBB2_1-.Ltmp1, $4  }
0x53: {  	[hbm:s9], [sflag:s6] =	dma.local [spmem:s11], $0x1400  }
0x54: {  	_ =	swait.ge [sflag:s12], $0x1400  }
0x55: {  	[sflag:s12] =	ssyncset.done $0x0  }
0x56: {  	[sflag:s12] =	ssyncadd.s32 $0xFFFFEC00  }
0x57: {  	_ =	sfence.sel $0x180000  }
0x58: {  	[bflag:$0x0] =	sbarrier.arrive $0xFFFF  }
0x59: {  	p0 =	sne.s32 s1, $0x0;
	_ =	strace $0x90000050  }
0x5a: {  	s0 =	sadd.s32 @!p0 $0x100000, s0;
	[bflag:$0x2] =	sbarrier.arrive $0xFFFF  }
0x5b: {  	[sflag:s0] =	ssyncadd.tile.s32 @!p0 $0x1;
	_ =	shalt  }
.Lfunc_end2:
_tile_overlayer_lowered:
.L_overlay_start_2:
0x5c: {  	(tag) =	ssettag $0x2  }
0x5d: {  	s0 =	rddreg [dreg:$0x0];
	s2 =	stileid.u32  }
0x5e: {  	s1 =	rddreg [dreg:$0x1];
	p0 =	sne.s32 s2, $0x0  }
0x5f: {  	s3 =	rddreg [dreg:$0x2];
	[bflag:$0x3] =	sbarrier.arrive $0xFFFF;
	s2 =	simm.s32 @!p0 $0x1C03  }
0x60: {  	[timem:s3], [sflag:s2] =	dma.local @!p0 [hbm:s0], s1  }
0x61: {  	s0 =	simm.s32 @!p0 $0x3  }
0x62: {  	_ =	swait.ge @!p0 [sflag:s0], s1  }
0x63: {  	s1 =	ssub.s32 @!p0 $0x0, s1;
	[sflag:s0] =	ssyncset.done @!p0 $0x0  }
0x64: {  	[sflag:s0] =	ssyncadd.s32 @!p0 s1  }
0x65: {  	[bflag:$0x3] =	sbarrier.arrive $0xFFFF  }
0x66: {  	_ =	shalt  }

// kernel: kernel.9.cloned.1.call-start
scs
__scs_entry_jumppad:
0x0: {  	(pc) =	sbr.rel $0x88, $3  }
0x1: {  	(tag) =	ssettag $0x0;
	lr =	simm.s32 $0x1  }
0x2: {  	[smem:$0x3F96] =	sst lr;
	_ =	strace $0xD0000000  }
0x3: {  	_ = 	snop  }
0x4: {  	_ = 	snop  }
0x5: {  	_ = 	snop  }
0x6: {  	_ = 	snop  }
0x7: {  	_ = 	snop  }
__scs_overlays_trampoline_lowered:
0x8: {  	[smem:$0x3FA5] =	sst s0  }
0x9: {  	[smem:$0x3FA6] =	sst s1  }
0xa: {  	[smem:$0x3FA7] =	sst s2  }
0xb: {  	[smem:$0x3FA8] =	sst s3  }
0xc: {  	[smem:$0x3FA9] =	sst s4  }
0xd: {  	[smem:$0x3FAA] =	sst s5  }
0xe: {  	[smem:$0x3FAB] =	sst s6  }
0xf: {  	[smem:$0x3FAC] =	sst s7  }
0x10: {  	[smem:$0x3FAD] =	sst s8  }
0x11: {  	[smem:$0x3FAE] =	sst s9;
	s0 =	simm.s32 @!p0 $0x0  }
0x12: {  	s1 =	sld [smem:$0x3F94];
	s0 =	simm.s32 @p0 $0x1  }
0x13: {  	[smem:$0x3FAF] =	sst s0;
	s0 =	simm.s32 @!p1 $0x0  }
0x14: {  	s2 =	sld [smem:$0x3F93];
	s0 =	simm.s32 @p1 $0x1  }
0x15: {  	[smem:$0x3FB0] =	sst s0;
	s0 =	simm.s32 @!p2 $0x0  }
0x16: {  	s3 =	sld [smem:$0x3FDB];
	s0 =	simm.s32 @p2 $0x1  }
0x17: {  	s4 =	simm.s32 $0x1BF5;
	[smem:$0x3FB2] =	sst s0  }
0x18: {  	s0 =	sld [smem:$0x3F95];
	_ =	swait.ge [sflag:s4], $0x0  }
0x19: {  	s7 =	sld [smem:$0x3F96]  }
0x1a: {  	s8 =	sadd.s32 $0xFFFFE003, lr  }
0x1b: {  	s9 =	sadd.s32 $0xFFFFFEF7, lr;
	s5 =	simm.s32 $0xFFFFFFFF;
	p2 =	slt.u32 s8, $0xFFFFF086  }
0x1c: {  	p1 =	slt.u32 s9, $0xF7A;
	s5 =	simm.s32 @!p2 $0x0  }
0x1d: {  	s5 =	simm.s32 @p1 $0x1;
	p0 =	seq.s32 s7, s2  }
0x1e: {  	s7 =	smul.u32 @!p0 $0xF7A, s2;
	p2 =	seq.s32 @!p0 s5, $0x0  }
0x1f: {  	s9 =	smul.u32 $0xF7A, s1;
	s8 =	simm.s32 @!p0 $0x1BF5;
	p2 =	por !p2, p0  }
0x20: {  	[sflag:s8] =	ssyncset.s32 @!p0 $0xFFFFF086;
	s6 =	sadd.s32 @!p0 s3, s7;
	s7 =	simm.s32 @!p0 $0x108  }
0x21: {  	s3 =	sadd.s32 s3, s9;
	s6 =	sadd.s32 @!p0 $0x88, s6;
	s7 =	simm.s32 @p2 $0x1082  }
0x22: {  	[simem:s7], [sflag:s8] =	dma.local @!p0 [hbm:s6], $0xF7A  }
0x23: {  	s9 =	sor.u32 $0xD0000000, s2;
	s6 =	simm.s32 $0x108;
	_ =	swait.ge @!p0 [sflag:s8], $0x0  }
0x24: {  	s3 =	sadd.s32 $0x88, s3;
	s6 =	simm.s32 @!p1 $0x1082;
	[sflag:s4] =	ssyncset.s32 $0xFFFFF086  }
0x25: {  	[simem:s6], [sflag:s4] =	dma.local [hbm:s3], $0xF7A  }
0x26: {  	[smem:$0x3F96] =	sst s1;
	(tag) =	ssettag s2;
	_ =	strace s9  }
0x27: {  	s1 =	sld [smem:$0x3FA6]  }
0x28: {  	s2 =	sld [smem:$0x3FA7]  }
0x29: {  	s4 =	sld [smem:$0x3FA9]  }
0x2a: {  	p0 =	seq.s32 s5, $0x0;
	s5 =	sld [smem:$0x3FAA]  }
0x2b: {  	s6 =	sld [smem:$0x3FAB]  }
0x2c: {  	s7 =	sld [smem:$0x3FAC]  }
0x2d: {  	s3 =	simm.s32 $0x108;
	s8 =	sld [smem:$0x3FAD]  }
0x2e: {  	s3 =	simm.s32 @!p0 $0x1082;
	s9 =	sld [smem:$0x3FAE]  }
0x2f: {  	lr =	sadd.s32 s0, s3;
	s0 =	sld [smem:$0x3FA5]  }
0x30: {  	s3 =	sld [smem:$0x3FA8]  }
0x31: {  	[smem:$0x3FB1] =	sst s10  }
0x32: {  	s10 =	sld [smem:$0x3FAF];
	_ =	sdelay $0x3  }
0x33: {  	p0 =	seq.s32 s10, $0x1;
	s10 =	sld [smem:$0x3FB1];
	_ =	sdelay $0x3  }
0x34: {  	[smem:$0x3FB1] =	sst s10  }
0x35: {  	s10 =	sld [smem:$0x3FB0];
	_ =	sdelay $0x3  }
0x36: {  	p1 =	seq.s32 s10, $0x1;
	s10 =	sld [smem:$0x3FB1];
	_ =	sdelay $0x3  }
0x37: {  	[smem:$0x3FB1] =	sst s10  }
0x38: {  	s10 =	sld [smem:$0x3FB2]  }
0x39: {  	_ = 	snop;
	(pc) =	sbr.ind lr, $3  }
0x3a: {  	_ = 	snop  }
0x3b: {  	_ = 	snop  }
0x3c: {  	p2 =	seq.s32 s10, $0x1;
	s10 =	sld [smem:$0x3FB1]  }
0x3d: {  	_ =	shalt  }
0x3e: {  	_ =	shalt  }
0x3f: {  	_ =	shalt  }
0x40: {  	_ =	shalt  }
0x41: {  	_ =	shalt  }
0x42: {  	_ =	shalt  }
0x43: {  	_ =	shalt  }
0x44: {  	_ =	shalt  }
0x45: {  	_ =	shalt  }
0x46: {  	_ =	shalt  }
0x47: {  	_ =	shalt  }
0x48: {  	_ =	shalt  }
0x49: {  	_ =	shalt  }
0x4a: {  	_ =	shalt  }
0x4b: {  	_ =	shalt  }
0x4c: {  	_ =	shalt  }
0x4d: {  	_ =	shalt  }
0x4e: {  	_ =	shalt  }
0x4f: {  	_ =	shalt  }
0x50: {  	_ =	shalt  }
0x51: {  	_ =	shalt  }
0x52: {  	_ =	shalt  }
0x53: {  	_ =	shalt  }
0x54: {  	_ =	shalt  }
0x55: {  	_ =	shalt  }
0x56: {  	_ =	shalt  }
0x57: {  	_ =	shalt  }
0x58: {  	_ =	shalt  }
0x59: {  	_ =	shalt  }
0x5a: {  	_ =	shalt  }
0x5b: {  	_ =	shalt  }
0x5c: {  	_ =	shalt  }
0x5d: {  	_ =	shalt  }
0x5e: {  	_ =	shalt  }
0x5f: {  	_ =	shalt  }
0x60: {  	_ =	shalt  }
0x61: {  	_ =	shalt  }
0x62: {  	_ =	shalt  }
0x63: {  	_ =	shalt  }
0x64: {  	_ =	shalt  }
0x65: {  	_ =	shalt  }
0x66: {  	_ =	shalt  }
0x67: {  	_ =	shalt  }
0x68: {  	_ =	shalt  }
0x69: {  	_ =	shalt  }
0x6a: {  	_ =	shalt  }
0x6b: {  	_ =	shalt  }
0x6c: {  	_ =	shalt  }
0x6d: {  	_ =	shalt  }
0x6e: {  	_ =	shalt  }
0x6f: {  	_ =	shalt  }
0x70: {  	_ =	shalt  }
0x71: {  	_ =	shalt  }
0x72: {  	_ =	shalt  }
0x73: {  	_ =	shalt  }
0x74: {  	_ =	shalt  }
0x75: {  	_ =	shalt  }
0x76: {  	_ =	shalt  }
0x77: {  	_ =	shalt  }
0x78: {  	_ =	shalt  }
0x79: {  	_ =	shalt  }
0x7a: {  	_ =	shalt  }
0x7b: {  	_ =	shalt  }
0x7c: {  	_ =	shalt  }
0x7d: {  	_ =	shalt  }
0x7e: {  	_ =	shalt  }
0x7f: {  	_ =	shalt  }
0x80: {  	_ =	shalt  }
0x81: {  	_ =	shalt  }
0x82: {  	_ =	shalt  }
0x83: {  	_ =	shalt  }
0x84: {  	_ =	shalt  }
0x85: {  	_ =	shalt  }
0x86: {  	_ =	shalt  }
0x87: {  	_ =	shalt  }
.Lfunc_end0:
.L_simem_size_0:
called_computation_lowered:
.L_overlay_start_0:
0x88: {  	s2 =	sld [smem:$0x3FD9]  }
0x89: {  	s3 =	sld [smem:$0x3FFE];
	_ =	sdelay $0x1  }
0x8a: {  	s1 =	srdreg.scid  }
0x8b: {  	s0 =	sand.u32 $0x1, s1  }
0x8c: {  	s16 =	sshll.u32 s0, $0xA;
	s2 =	sadd.s32 s3, s2  }
0x8d: {  	s2 =	sadd.s32 s2, s16  }
0x8e: {  	[smem:$0x3FBD] =	sst s2  }
0x8f: {  	_ = 	snop  }
0x90: {  	(tm) =	ssettm $0x1  }
0x91: {  	s17 =	sld [smem:$0x3FFB];
	_ =	sdelay $0x3  }
0x92: {  	_ =	strace s17  }
0x93: {  	s2 =	sld [smem:$0x3FFC];
	_ =	sdelay $0x3  }
0x94: {  	_ =	strace s2  }
0x95: {  	s2 =	sld [smem:$0x3FFD];
	_ =	sdelay $0x3  }
0x96: {  	_ =	strace s2  }
0x97: {  	_ =	strace $0x8FFFFFFF  }
0x98: {  	s18 =	sld [smem:$0x3FDB];
	_ =	sdelay $0x1  }
0x99: {  	s19 =	simm.s32 $_scs_section_size  }
0x9a: {  	s4 =	simm.s32 $_size__tile_overlayer_lowered;
	s5 =	simm.s32 $_tile_overlayer_lowered  }
0x9b: {  	s22 =	simm.s32 $0x1BFF;
	s21 =	sshll.u32 s5, $0x1;
	s2 =	sadd.s32 s19, s18  }
0x9c: {  	s6 =	simm.s32 $0x0;
	s20 =	sshll.u32 s4, $0x1;
	s4 =	sadd.s32 s21, s2  }
0x9d: {  	[timem:s6], [sflag:s22] =	dma.local [hbm:s4], s20  }
0x9e: {  	_ =	swait.ge [sflag:s22], s20  }
0x9f: {  	s3 =	ssub.s32 $0x0, s20;
	[sflag:s22] =	ssyncset.done $0x0  }
0xa0: {  	[sflag:s22] =	ssyncadd.s32 s3;
	_ =	sdelay $0x1  }
0xa1: {  	s23 =	simm.s32 $0x1B8B  }
0xa2: {  	_ =	swait.ge [sflag:s23], $0x1  }
0xa3: {  	[sflag:s23] =	ssyncset.done $0x0  }
0xa4: {  	s25 =	simm.s32 $0x1B8E;
	s24 =	sld [smem:$0x3FFE];
	[sflag:s23] =	ssyncadd.s32 $0xFFFFFFFF  }
0xa5: {  	s26 =	simm.s32 $execute0_lowered;
	[smem:$0x3FD2] =	sst s25  }
0xa6: {  	s4 =	sshll.u32 s26, $0x1;
	_ =	strace $0x80000046;
	[dreg:$0x1] =	wrdreg $0xFFFFFFFF  }
0xa7: {  	s28 =	simm.s32 $_size_execute0_lowered;
	s2 =	sadd.s32 s2, s4;
	[dreg:$0x0] =	wrdreg $0x0  }
0xa8: {  	s4 =	sshll.u32 s28, $0x1;
	[dreg:$0x2] =	wrdreg s2  }
0xa9: {  	[dreg:$0x3] =	wrdreg s4  }
0xaa: {  	[dreg:$0x4] =	wrdreg $0xC0  }
0xab: {  	_ =	task [dreg:s6], $0x5FFFF  }
0xac: {  	[dreg:$0x1] =	wrdreg $0xFFFFFFFF  }
0xad: {  	[dreg:$0x0] =	wrdreg $0x60  }
0xae: {  	[dreg:$0x2] =	wrdreg s24  }
0xaf: {  	[dreg:$0x3] =	wrdreg $0x2EE00  }
0xb0: {  	[dreg:$0x4] =	wrdreg $0x9  }
0xb1: {  	_ =	task.clear_ibuf [dreg:s6], $0x5FFFF;
	_ =	strace $0x90000046  }
0xb2: {  	s29 =	simm.s32 $0x9;
	_ =	strace $0x80000048  }
0xb3: {  	_ =	swait.ge [sflag:s29], $0x1  }
0xb4: {  	[sflag:s29] =	ssyncadd.s32 $0xFFFFFFFF  }
0xb5: {  	_ =	strace $0x90000048  }
0xb6: {  	_ =	sfence  }
0xb7: {  	s30 =	sld [smem:$0x0];
	_ =	sdelay $0x2  }
0xb8: {  	s31 =	sshll.u32 s1, $0xD;
	s1 =	sshrl.u32 s1, $0x2  }
0xb9: {  	s3 =	sand.u32 $0x4000, s31;
	s1 =	sadd.s32 s1, s30  }
0xba: {  	s0 =	sor.u32 s3, s0;
	s1 =	sshll.u32 s1, $0x11  }
0xbb: {  	s0 =	sor.u32 s1, s0  }
0xbc: {  	s0 =	sadd.s32 $0x8F2B, s0  }
0xbd: {  	[sflag:s0] =	ssyncadd.remote.s32 $0x1  }
0xbe: {  	_ =	sfence.sel $0xFFFF  }
0xbf: {  	[dreg:$0x0] =	wrdreg $0xFFFFFFFF;
	(pc) =	sbr.abs _section_cstart, $3  }
0xc0: {  	[dreg:$0x1] =	wrdreg $0xFFFFFFFF  }
0xc1: {  	_ =	task.clear_ibuf [dreg:s6], $0x2FFFF;
	_ =	strace $0x9FFFFFFF  }
0xc2: {  	(tm) =	ssettm $0x7FFFFFFF  }
0xc3: {  	_ =	shalt  }
tec
execute0_lowered:
.L_overlay_start_1:
0x0: {  	(tag) =	ssettag $0x1  }
0x1: {  	s1 =	srdreg.scid;
	s6 =	rddreg [dreg:$0x0]  }
0x2: {  	s0 =	stileid.u32;
	s2 =	rddreg [dreg:$0x1]  }
0x3: {  	s3 =	simm.s32 $0x0;
	s12 =	simm.s32 $0x2BC0;
	s13 =	simm.s32 $0x32  }
0x4: {  	s14 =	simm.s32 $0x0;
	s5 =	sand.u32 $0x1, s1;
	s29 =	sshll.u32 s0, $0x1  }
0x5: {  	s7 =	smul.u32 $0x2800, s0;
	[smem:$0x7FF] =	sst s3;
	s31 =	sshll.u32 s0, $0x6  }
0x6: {  	s1 =	sor.u32 s5, s29;
	s8 =	smul.u32 $0x28000, s5;
	s10 =	ssub.s32 $0x2, s5  }
0x7: {  	s5 =	sadd.s32 $0xDA00, s6;
	s4 =	smul.u32 $0x578, s1;
	s1 =	rddreg [dreg:$0x2]  }
0x8: {  	_ =	strace $0x80000047;
	s30 =	sshrl.u32 s10, $0x1;
	s8 =	sadd.s32 s7, s8  }
0x9: {  	s11 =	sadd.s32 s7, s2;
	s10 =	ssub.s32 s10, s30;
	s8 =	sshrl.u32 s8, $0x3  }
0xa: {  	s9 =	sadd.s32 s4, s6;
	s4 =	sadd.s32 $0xDC00, s6;
	s8 =	sadd.s32 s8, s6  }
0xb: {  	s6 =	sor.u32 $0x1C01, s31;
	s7 =	sadd.s32 $0x2A00, s9;
	s9 =	smax.u32 s10, $0x1  }
0xc: {  	s10 =	sshrl.u32 s11, $0x3;
	s11 =	simm.s32 $0x1;
	s8 =	sadd.s32 $0xE200, s8  }
.LBB2_1:
0xd: {  	[spmem:s10], [sflag:s6] =	dma.local [hbm:s4], $0x500  }
0xe: {  	_ =	swait.ge [sflag:s11], $0x500  }
0xf: {  	[sflag:s11] =	ssyncset.done $0x0  }
0x10: {  	[sflag:s11] =	ssyncadd.s32 $0xFFFFFB00  }
0x11: {  	[tilespmem:s12], [sflag:$0x1] =	stream.linear.gather [hbm4b:s5+s3], $0x320, $0x38;
	[tilespmem:$0x56E0] =	vst v63  }
0x12: {  	_ =	swait.ge [sflag:s11], $0x320  }
0x13: {  	[sflag:s11] =	ssyncset.done $0x0  }
0x14: {  	[sflag:s11] =	ssyncadd.s32 $0xFFFFFCE0  }
0x15: {  	[tilespmem:s3], [sflag:$0x1] =	stream.linear.gather [hbm4b:s7+s3], $0x2BC0, $0x38;
	[tilespmem:$0x56E0] =	vst v63  }
0x16: {  	_ =	swait.ge [sflag:s11], $0x2BC0  }
0x17: {  	[sflag:s11] =	ssyncset.done $0x0  }
0x18: {  	[sflag:s11] =	ssyncadd.s32 $0xFFFFD440  }
0x19: {  	s15 =	simm.s32 $0x0;
	[bflag:$0x0] =	sbarrier.arrive $0xFFFF  }
0x1a: {  	[spmem:s2] =	stream.indirect.scatter.add.f32 [tilespmem:s12], [sflag:$0x1], $0x10, s15, s13, $0xb8;
	[tilespmem:$0x56E0] =	vst v63  }
0x1b: {  	_ =	swait.ge [sflag:s11], $0x320  }
0x1c: {  	s15 =	simm.s32 $0xE0;
	[sflag:s11] =	ssyncset.done $0x0  }
.LBB2_2:
0x1d: {  	s16 =	sshra.s32 s15, $0x2;
	[sflag:s11] =	ssyncadd.s32 $0xFFFFFCE0;
	p0 =	sne.s32 s15, $0xAE20  }
0x1e: {  	[spmem:s2] =	stream.indirect.scatter.add.f32 [tilespmem:s12], [sflag:$0x1], $0x10, s16, s13, $0xb8;
	[tilespmem:$0x56E0] =	vst v63  }
.Ltmp0:
0x1f: {  	_ = 	snop;
	(pc) =	sbr.rel @p0 .LBB2_2-.Ltmp0, $4  }
0x20: {  	_ = 	snop  }
0x21: {  	s15 =	sadd.s32 $0xE0, s15  }
0x22: {  	_ =	swait.ge [sflag:s11], $0x320  }
0x23: {  	[sflag:s11] =	ssyncset.done $0x0  }
0x24: {  	s14 =	sadd.s32 $0x1, s14  }
0x25: {  	[sflag:s11] =	ssyncadd.s32 $0xFFFFFCE0;
	p0 =	sne.s32 s14, s9  }
.Ltmp1:
0x26: {  	[bflag:$0x0] =	sbarrier.arrive $0xFFFF;
	(pc) =	sbr.rel @p0 .LBB2_1-.Ltmp1, $4  }
0x27: {  	[hbm:s8], [sflag:s6] =	dma.local [spmem:s10], $0x500  }
0x28: {  	_ =	swait.ge [sflag:s11], $0x500  }
0x29: {  	[sflag:s11] =	ssyncset.done $0x0  }
0x2a: {  	[sflag:s11] =	ssyncadd.s32 $0xFFFFFB00  }
0x2b: {  	_ =	sfence.sel $0x180000  }
0x2c: {  	[bflag:$0x0] =	sbarrier.arrive $0xFFFF  }
0x2d: {  	p0 =	sne.s32 s0, $0x0;
	_ =	strace $0x90000047  }
0x2e: {  	s0 =	sadd.s32 @!p0 $0x100000, s1;
	[bflag:$0x2] =	sbarrier.arrive $0xFFFF  }
0x2f: {  	[sflag:s0] =	ssyncadd.tile.s32 @!p0 $0x1;
	_ =	shalt  }
.Lfunc_end2:
_tile_overlayer_lowered:
.L_overlay_start_2:
0x30: {  	(tag) =	ssettag $0x2  }
0x31: {  	s0 =	rddreg [dreg:$0x0];
	s2 =	stileid.u32  }
0x32: {  	s1 =	rddreg [dreg:$0x1];
	p0 =	sne.s32 s2, $0x0  }
0x33: {  	s3 =	rddreg [dreg:$0x2];
	[bflag:$0x3] =	sbarrier.arrive $0xFFFF;
	s2 =	simm.s32 @!p0 $0x1C01  }
0x34: {  	[timem:s3], [sflag:s2] =	dma.local @!p0 [hbm:s0], s1  }
0x35: {  	s0 =	simm.s32 @!p0 $0x1  }
0x36: {  	_ =	swait.ge @!p0 [sflag:s0], s1  }
0x37: {  	s1 =	ssub.s32 @!p0 $0x0, s1;
	[sflag:s0] =	ssyncset.done @!p0 $0x0  }
0x38: {  	[sflag:s0] =	ssyncadd.s32 @!p0 s1  }
0x39: {  	[bflag:$0x3] =	sbarrier.arrive $0xFFFF  }
0x3a: {  	_ =	shalt  }

</sc_bundles>
